<compile_context>
chip_gen: v7x
topology: tpu7x:2x2x1
jax: 0.10.2.dev20260603
libtpu: 0.0.44.dev20260713+nightly
codegen_flags: <defaults>
</compile_context>

<pallas_src>
import functools
import math

import jax
import jax.numpy as jnp
from jax import lax
from jax.experimental import pallas as pl
from jax.experimental.pallas import tpu as pltpu
from jax.experimental.pallas import tpu_sc as plsc

INPUT_DIM = 100000
EMBED_DIM = 128
SEQ = 60
BATCH = 4096

NC = 2
NS = 16
NW = NC * NS
ROWS_PER_W = BATCH // NW
HALF = ROWS_PER_W // 2
NLANE = 16
NVEC = EMBED_DIM // NLANE
SCALE = 1.0 / (math.sqrt(513.0) * math.sqrt(60.0))

_mesh = plsc.VectorSubcoreMesh(
    core_axis_name="c", subcore_axis_name="s", num_cores=NC, num_subcores=NS
)


@functools.partial(
    pl.kernel,
    out_type=jax.ShapeDtypeStruct((BATCH, EMBED_DIM), jnp.float32),
    mesh=_mesh,
    scratch_types=[
        pltpu.VMEM((SEQ, ROWS_PER_W), jnp.int32),
        pltpu.VMEM((ROWS_PER_W, EMBED_DIM), jnp.float32),
        pltpu.VMEM((SEQ, EMBED_DIM), jnp.float32),
        pltpu.SemaphoreType.DMA,
        pltpu.SemaphoreType.DMA,
        pltpu.SemaphoreType.DMA,
    ],
)
def _encoder(
    xw_hbm, tab_hbm, pos_hbm, out_hbm, idx_v, acc_v, pos_v, sem_a, sem_b, sem_x
):
    wid = lax.axis_index("s") * NC + lax.axis_index("c")
    out_base = wid * ROWS_PER_W

    pos_cp = pltpu.async_copy(pos_hbm, pos_v, sem_x)
    pltpu.sync_copy(xw_hbm.at[wid], idx_v)

    def idx_at(s, h):
        return idx_v.at[s, pl.ds(h * HALF, HALF)]

    def acc_at(h):
        return acc_v.at[pl.ds(h * HALF, HALF)]

    init_a = pltpu.async_copy(tab_hbm.at[idx_at(0, 0)], acc_at(0), sem_a)
    init_b = pltpu.async_copy(tab_hbm.at[idx_at(0, 1)], acc_at(1), sem_b)

    pos_cp.wait()
    zeros8 = tuple(jnp.zeros((NLANE,), jnp.float32) for _ in range(NVEC))

    def pos_body(s, acc):
        return tuple(
            acc[k] + pos_v[s, pl.ds(NLANE * k, NLANE)] for k in range(NVEC)
        )

    psum = lax.fori_loop(0, SEQ, pos_body, zeros8)
    init_a.wait()
    init_b.wait()

    def fire(s, c):
        pltpu.async_copy(tab_hbm.at[idx_at(s, 0)], acc_at(0), sem_a, add=True)
        pltpu.async_copy(tab_hbm.at[idx_at(s, 1)], acc_at(1), sem_b, add=True)
        return c

    lax.fori_loop(1, SEQ, fire, 0)

    def drain(sem, h):
        def body(s, c):
            pltpu.make_async_copy(
                tab_hbm.at[pl.ds(0, HALF)], acc_at(h), sem
            ).wait()
            return c

        lax.fori_loop(1, SEQ, body, 0)

    def fin(h):
        def body(r, c):
            row = h * HALF + 2 * r
            for dr in range(2):
                for k in range(NVEC):
                    sl = pl.ds(NLANE * k, NLANE)
                    acc_v[row + dr, sl] = (acc_v[row + dr, sl] + psum[k]) * SCALE
            return c

        lax.fori_loop(0, HALF // 2, body, 0)

    drain(sem_a, 0)
    fin(0)
    out_a = pltpu.async_copy(
        acc_at(0), out_hbm.at[pl.ds(out_base, HALF)], sem_x
    )
    drain(sem_b, 1)
    fin(1)
    pltpu.sync_copy(acc_at(1), out_hbm.at[pl.ds(out_base + HALF, HALF)])
    out_a.wait()


def kernel(x, embed_table, pos_table):
    xw = (
        x.astype(jnp.int32)
        .reshape(NW, ROWS_PER_W, SEQ)
        .transpose(0, 2, 1)
    )
    return _encoder(xw, embed_table, pos_table)

# --- scband reference (transcript-rebuilt; emitter-appended) ---
"""Pipeline reference for scband-trgt-encoder-78666620993753 (READ-ONLY COPY).

The authoritative reference and input builder live on the scoring server;
editing this copy changes nothing except your own understanding.
"""

import jax, jax.numpy as jnp
import numpy as np

INPUT_DIM = 100000
EMBED_DIM = 128
SEQ = 60
BATCH = 4096

def setup_inputs(seed: int = 0) -> dict:
    key = jax.random.key(seed)
    k1, k2, k3 = jax.random.split(key, 3)
    x = jax.random.randint(k1, (BATCH, SEQ), 0, INPUT_DIM, dtype=jnp.int64 if jax.config.jax_enable_x64 else jnp.int32)
    embed_table = jax.random.normal(k2, (INPUT_DIM, EMBED_DIM), dtype=jnp.float32)
    pos_table = jax.random.normal(k3, (SEQ, EMBED_DIM), dtype=jnp.float32)
    return {"x": x, "embed_table": embed_table, "pos_table": pos_table}

def reference(x, embed_table, pos_table):
    pos = jnp.arange(0, SEQ)
    emb = jnp.take(embed_table, x, axis=0) / np.sqrt(513)
    emb = emb + jnp.take(pos_table, pos, axis=0) / np.sqrt(513)
    emb = jnp.sum(emb, axis=-2) / np.sqrt(60)
    return emb

if __name__ == "__main__":
    import jax
    _d = setup_inputs()
    print(jax.jit(kernel)(*tuple(_d.values())))

</pallas_src>

<mosaic_0001>
#map = affine_map<(d0, d1) -> (0, 0, 0)>
#map1 = affine_map<(d0, d1) -> (0, 0)>
module attributes {stable_mosaic.version = 14 : i64} {
  func.func @_encoder(%arg0: i32, %arg1: i32, %arg2: memref<32x60x128xi32, #tpu.memory_space<hbm>>, %arg3: memref<100000x128xf32, #tpu.memory_space<hbm>>, %arg4: memref<60x128xf32, #tpu.memory_space<hbm>>, %arg5: memref<4096x128xf32, #tpu.memory_space<hbm>>, %arg6: memref<60x128xi32, #tpu.memory_space<vmem>>, %arg7: memref<128x128xf32, #tpu.memory_space<vmem>>, %arg8: memref<60x128xf32, #tpu.memory_space<vmem>>, %arg9: memref<!tpu.dma_semaphore, #tpu.memory_space<semaphore_mem>>, %arg10: memref<!tpu.dma_semaphore, #tpu.memory_space<semaphore_mem>>, %arg11: memref<!tpu.dma_semaphore, #tpu.memory_space<semaphore_mem>>) attributes {dimension_semantics = [#tpu.dimension_semantics<core_parallel>, #tpu.dimension_semantics<subcore_parallel>], iteration_bounds = array<i64: 2, 16>, scalar_prefetch = 0 : i64, scratch_operands = 6 : i64, tpu.core_type = #tpu.core_type<sc_vector_subcore>, window_params = [{transform_indices = #map}, {transform_indices = #map1}, {transform_indices = #map1}, {transform_indices = #map1}]} {
    %mul3A = arith.constant 2 : i32
    %mul3A_0 = arith.muli %arg1, %mul3A : i32
    %add3A = arith.addi %mul3A_0, %arg0 : i32
    %mul3A_1 = arith.constant 128 : i32
    %mul3A_2 = arith.muli %add3A, %mul3A_1 : i32
    tpu.enqueue_dma source(%arg4 : memref<60x128xf32, #tpu.memory_space<hbm>>) target(%arg8 : memref<60x128xf32, #tpu.memory_space<vmem>>) target_semaphore(%arg11 : memref<!tpu.dma_semaphore, #tpu.memory_space<semaphore_mem>>)
    "tpu.region"() ({
      %run_scoped3A = tpu.sem_alloc : memref<!tpu.dma_semaphore, #tpu.memory_space<semaphore_mem>>
      %dma_start3A_113 = arith.constant 0 : i32
      %dma_start3A_114 = arith.constant 0 : i32
      %dma_start3A_115 = tpu.memref_slice %arg2[%add3A, %dma_start3A_113, %dma_start3A_114] : memref<32x60x128xi32, #tpu.memory_space<hbm>> -> memref<1x60x128xi32, #tpu.memory_space<hbm>>
      %dma_start3A_116 = tpu.memref_squeeze %dma_start3A_115 : memref<1x60x128xi32, #tpu.memory_space<hbm>> -> memref<60x128xi32, #tpu.memory_space<hbm>>
      %dma_start3A_117 = arith.constant 0 : i32
      %dma_start3A_118 = arith.constant 0 : i32
      %dma_start3A_119 = tpu.memref_slice %arg2[%add3A, %dma_start3A_117, %dma_start3A_118] : memref<32x60x128xi32, #tpu.memory_space<hbm>> -> memref<1x60x128xi32, #tpu.memory_space<hbm>>
      %dma_start3A_120 = tpu.memref_squeeze %dma_start3A_119 : memref<1x60x128xi32, #tpu.memory_space<hbm>> -> memref<60x128xi32, #tpu.memory_space<hbm>>
      tpu.enqueue_dma source(%dma_start3A_120 : memref<60x128xi32, #tpu.memory_space<hbm>>) target(%arg6 : memref<60x128xi32, #tpu.memory_space<vmem>>) target_semaphore(%run_scoped3A : memref<!tpu.dma_semaphore, #tpu.memory_space<semaphore_mem>>)
      %dma_wait3A_121 = arith.constant 0 : i32
      %dma_wait3A_122 = arith.constant 0 : i32
      %dma_wait3A_123 = tpu.memref_slice %arg2[%add3A, %dma_wait3A_121, %dma_wait3A_122] : memref<32x60x128xi32, #tpu.memory_space<hbm>> -> memref<1x60x128xi32, #tpu.memory_space<hbm>>
      %dma_wait3A_124 = tpu.memref_squeeze %dma_wait3A_123 : memref<1x60x128xi32, #tpu.memory_space<hbm>> -> memref<60x128xi32, #tpu.memory_space<hbm>>
      %dma_wait3A_125 = arith.constant 0 : i32
      %dma_wait3A_126 = arith.constant 0 : i32
      %dma_wait3A_127 = tpu.memref_slice %arg2[%add3A, %dma_wait3A_125, %dma_wait3A_126] : memref<32x60x128xi32, #tpu.memory_space<hbm>> -> memref<1x60x128xi32, #tpu.memory_space<hbm>>
      %dma_wait3A_128 = tpu.memref_squeeze %dma_wait3A_127 : memref<1x60x128xi32, #tpu.memory_space<hbm>> -> memref<60x128xi32, #tpu.memory_space<hbm>>
      tpu.wait_dma2 semaphore(%run_scoped3A : memref<!tpu.dma_semaphore, #tpu.memory_space<semaphore_mem>>) src(%dma_wait3A_128 : memref<60x128xi32, #tpu.memory_space<hbm>>) dst(%arg6 : memref<60x128xi32, #tpu.memory_space<vmem>>)
      tpu.yield
    }) : () -> ()
    %dma_start3A = arith.constant 0 : i32
    %dma_start3A_3 = arith.constant 0 : i32
    %dma_start3A_4 = arith.constant 0 : i32
    %dma_start3A_5 = tpu.memref_slice %arg7[%dma_start3A_3, %dma_start3A_4] : memref<128x128xf32, #tpu.memory_space<vmem>> -> memref<64x128xf32, #tpu.memory_space<vmem>>
    %dma_start3A_6 = arith.constant 0 : i32
    %dma_start3A_7 = tpu.memref_slice %arg6[%dma_start3A, %dma_start3A_6] : memref<60x128xi32, #tpu.memory_space<vmem>> -> memref<1x64xi32, #tpu.memory_space<vmem>>
    %dma_start3A_8 = tpu.memref_squeeze %dma_start3A_7 : memref<1x64xi32, #tpu.memory_space<vmem>> -> memref<64xi32, #tpu.memory_space<vmem>>
    %dma_start3A_9 = arith.constant 0 : i32
    %dma_start3A_10 = arith.constant 0 : i32
    %dma_start3A_11 = tpu.memref_slice %arg3[%dma_start3A_9, %dma_start3A_10] : memref<100000x128xf32, #tpu.memory_space<hbm>> -> memref<100000x128xf32, #tpu.memory_space<hbm>>
    tpu.enqueue_indirect_dma source(%dma_start3A_11 : memref<100000x128xf32, #tpu.memory_space<hbm>>) target(%dma_start3A_5 : memref<64x128xf32, #tpu.memory_space<vmem>>) offsets(%dma_start3A_8 : memref<64xi32, #tpu.memory_space<vmem>>) semaphore(%arg9 : memref<!tpu.dma_semaphore, #tpu.memory_space<semaphore_mem>>)
    %dma_start3A_12 = arith.constant 0 : i32
    %dma_start3A_13 = arith.constant 64 : i32
    %dma_start3A_14 = arith.constant 0 : i32
    %dma_start3A_15 = tpu.memref_slice %arg7[%dma_start3A_13, %dma_start3A_14] : memref<128x128xf32, #tpu.memory_space<vmem>> -> memref<64x128xf32, #tpu.memory_space<vmem>>
    %dma_start3A_16 = arith.constant 64 : i32
    %dma_start3A_17 = tpu.memref_slice %arg6[%dma_start3A_12, %dma_start3A_16] : memref<60x128xi32, #tpu.memory_space<vmem>> -> memref<1x64xi32, #tpu.memory_space<vmem>>
    %dma_start3A_18 = tpu.memref_squeeze %dma_start3A_17 : memref<1x64xi32, #tpu.memory_space<vmem>> -> memref<64xi32, #tpu.memory_space<vmem>>
    %dma_start3A_19 = arith.constant 0 : i32
    %dma_start3A_20 = arith.constant 0 : i32
    %dma_start3A_21 = tpu.memref_slice %arg3[%dma_start3A_19, %dma_start3A_20] : memref<100000x128xf32, #tpu.memory_space<hbm>> -> memref<100000x128xf32, #tpu.memory_space<hbm>>
    tpu.enqueue_indirect_dma source(%dma_start3A_21 : memref<100000x128xf32, #tpu.memory_space<hbm>>) target(%dma_start3A_15 : memref<64x128xf32, #tpu.memory_space<vmem>>) offsets(%dma_start3A_18 : memref<64xi32, #tpu.memory_space<vmem>>) semaphore(%arg10 : memref<!tpu.dma_semaphore, #tpu.memory_space<semaphore_mem>>)
    tpu.wait_dma2 semaphore(%arg11 : memref<!tpu.dma_semaphore, #tpu.memory_space<semaphore_mem>>) src(%arg4 : memref<60x128xf32, #tpu.memory_space<hbm>>) dst(%arg8 : memref<60x128xf32, #tpu.memory_space<vmem>>)
    %broadcast_in_dim3A = arith.constant 0.000000e+00 : f32
    %broadcast_in_dim3A_22 = vector.broadcast %broadcast_in_dim3A : f32 to vector<16xf32>
    %broadcast_in_dim3A_23 = arith.constant 0.000000e+00 : f32
    %broadcast_in_dim3A_24 = vector.broadcast %broadcast_in_dim3A_23 : f32 to vector<16xf32>
    %broadcast_in_dim3A_25 = arith.constant 0.000000e+00 : f32
    %broadcast_in_dim3A_26 = vector.broadcast %broadcast_in_dim3A_25 : f32 to vector<16xf32>
    %broadcast_in_dim3A_27 = arith.constant 0.000000e+00 : f32
    %broadcast_in_dim3A_28 = vector.broadcast %broadcast_in_dim3A_27 : f32 to vector<16xf32>
    %broadcast_in_dim3A_29 = arith.constant 0.000000e+00 : f32
    %broadcast_in_dim3A_30 = vector.broadcast %broadcast_in_dim3A_29 : f32 to vector<16xf32>
    %broadcast_in_dim3A_31 = arith.constant 0.000000e+00 : f32
    %broadcast_in_dim3A_32 = vector.broadcast %broadcast_in_dim3A_31 : f32 to vector<16xf32>
    %broadcast_in_dim3A_33 = arith.constant 0.000000e+00 : f32
    %broadcast_in_dim3A_34 = vector.broadcast %broadcast_in_dim3A_33 : f32 to vector<16xf32>
    %broadcast_in_dim3A_35 = arith.constant 0.000000e+00 : f32
    %broadcast_in_dim3A_36 = vector.broadcast %broadcast_in_dim3A_35 : f32 to vector<16xf32>
    %scan3A = arith.constant 0 : i32
    %scan3A_37 = arith.constant 60 : i32
    %scan3A_38 = arith.addi %scan3A, %scan3A_37 : i32
    %scan3A_39 = arith.constant 1 : i32
    %scan3A_40:8 = scf.for %scan3A_113 = %scan3A to %scan3A_38 step %scan3A_39 iter_args(%scan3A_114 = %broadcast_in_dim3A_22, %scan3A_115 = %broadcast_in_dim3A_24, %scan3A_116 = %broadcast_in_dim3A_26, %scan3A_117 = %broadcast_in_dim3A_28, %scan3A_118 = %broadcast_in_dim3A_30, %scan3A_119 = %broadcast_in_dim3A_32, %scan3A_120 = %broadcast_in_dim3A_34, %scan3A_121 = %broadcast_in_dim3A_36) -> (vector<16xf32>, vector<16xf32>, vector<16xf32>, vector<16xf32>, vector<16xf32>, vector<16xf32>, vector<16xf32>, vector<16xf32>)  : i32 {
      %get3A = arith.index_cast %scan3A_113 : i32 to index
      %get3A_122 = arith.constant 0 : index
      %get3A_123 = tpu.vector_load %arg8[%get3A, %get3A_122] {strides = array<i32>} : memref<60x128xf32, #tpu.memory_space<vmem>>, vector<1x16xf32>,
      %get3A_124 = vector.shape_cast %get3A_123 : vector<1x16xf32> to vector<16xf32>
      %add3A_125 = arith.addf %scan3A_114, %get3A_124 : vector<16xf32>
      %get3A_126 = arith.index_cast %scan3A_113 : i32 to index
      %get3A_127 = arith.constant 16 : index
      %get3A_128 = tpu.vector_load %arg8[%get3A_126, %get3A_127] {strides = array<i32>} : memref<60x128xf32, #tpu.memory_space<vmem>>, vector<1x16xf32>,
      %get3A_129 = vector.shape_cast %get3A_128 : vector<1x16xf32> to vector<16xf32>
      %add3A_130 = arith.addf %scan3A_115, %get3A_129 : vector<16xf32>
      %get3A_131 = arith.index_cast %scan3A_113 : i32 to index
      %get3A_132 = arith.constant 32 : index
      %get3A_133 = tpu.vector_load %arg8[%get3A_131, %get3A_132] {strides = array<i32>} : memref<60x128xf32, #tpu.memory_space<vmem>>, vector<1x16xf32>,
      %get3A_134 = vector.shape_cast %get3A_133 : vector<1x16xf32> to vector<16xf32>
      %add3A_135 = arith.addf %scan3A_116, %get3A_134 : vector<16xf32>
      %get3A_136 = arith.index_cast %scan3A_113 : i32 to index
      %get3A_137 = arith.constant 48 : index
      %get3A_138 = tpu.vector_load %arg8[%get3A_136, %get3A_137] {strides = array<i32>} : memref<60x128xf32, #tpu.memory_space<vmem>>, vector<1x16xf32>,
      %get3A_139 = vector.shape_cast %get3A_138 : vector<1x16xf32> to vector<16xf32>
      %add3A_140 = arith.addf %scan3A_117, %get3A_139 : vector<16xf32>
      %get3A_141 = arith.index_cast %scan3A_113 : i32 to index
      %get3A_142 = arith.constant 64 : index
      %get3A_143 = tpu.vector_load %arg8[%get3A_141, %get3A_142] {strides = array<i32>} : memref<60x128xf32, #tpu.memory_space<vmem>>, vector<1x16xf32>,
      %get3A_144 = vector.shape_cast %get3A_143 : vector<1x16xf32> to vector<16xf32>
      %add3A_145 = arith.addf %scan3A_118, %get3A_144 : vector<16xf32>
      %get3A_146 = arith.index_cast %scan3A_113 : i32 to index
      %get3A_147 = arith.constant 80 : index
      %get3A_148 = tpu.vector_load %arg8[%get3A_146, %get3A_147] {strides = array<i32>} : memref<60x128xf32, #tpu.memory_space<vmem>>, vector<1x16xf32>,
      %get3A_149 = vector.shape_cast %get3A_148 : vector<1x16xf32> to vector<16xf32>
      %add3A_150 = arith.addf %scan3A_119, %get3A_149 : vector<16xf32>
      %get3A_151 = arith.index_cast %scan3A_113 : i32 to index
      %get3A_152 = arith.constant 96 : index
      %get3A_153 = tpu.vector_load %arg8[%get3A_151, %get3A_152] {strides = array<i32>} : memref<60x128xf32, #tpu.memory_space<vmem>>, vector<1x16xf32>,
      %get3A_154 = vector.shape_cast %get3A_153 : vector<1x16xf32> to vector<16xf32>
      %add3A_155 = arith.addf %scan3A_120, %get3A_154 : vector<16xf32>
      %get3A_156 = arith.index_cast %scan3A_113 : i32 to index
      %get3A_157 = arith.constant 112 : index
      %get3A_158 = tpu.vector_load %arg8[%get3A_156, %get3A_157] {strides = array<i32>} : memref<60x128xf32, #tpu.memory_space<vmem>>, vector<1x16xf32>,
      %get3A_159 = vector.shape_cast %get3A_158 : vector<1x16xf32> to vector<16xf32>
      %add3A_160 = arith.addf %scan3A_121, %get3A_159 : vector<16xf32>
      scf.yield %add3A_125, %add3A_130, %add3A_135, %add3A_140, %add3A_145, %add3A_150, %add3A_155, %add3A_160 : vector<16xf32>, vector<16xf32>, vector<16xf32>, vector<16xf32>, vector<16xf32>, vector<16xf32>, vector<16xf32>, vector<16xf32>
    }
    %scan3A_41 = arith.constant 60 : i32
    %dma_wait3A = arith.constant 0 : i32
    %dma_wait3A_42 = arith.constant 0 : i32
    %dma_wait3A_43 = arith.constant 0 : i32
    %dma_wait3A_44 = tpu.memref_slice %arg7[%dma_wait3A_42, %dma_wait3A_43] : memref<128x128xf32, #tpu.memory_space<vmem>> -> memref<64x128xf32, #tpu.memory_space<vmem>>
    %dma_wait3A_45 = arith.constant 0 : i32
    %dma_wait3A_46 = tpu.memref_slice %arg6[%dma_wait3A, %dma_wait3A_45] : memref<60x128xi32, #tpu.memory_space<vmem>> -> memref<1x64xi32, #tpu.memory_space<vmem>>
    %dma_wait3A_47 = tpu.memref_squeeze %dma_wait3A_46 : memref<1x64xi32, #tpu.memory_space<vmem>> -> memref<64xi32, #tpu.memory_space<vmem>>
    %dma_wait3A_48 = arith.constant 0 : i32
    %dma_wait3A_49 = arith.constant 0 : i32
    %dma_wait3A_50 = tpu.memref_slice %arg3[%dma_wait3A_48, %dma_wait3A_49] : memref<100000x128xf32, #tpu.memory_space<hbm>> -> memref<100000x128xf32, #tpu.memory_space<hbm>>
    tpu.wait_indirect_dma semaphore(%arg9 : memref<!tpu.dma_semaphore, #tpu.memory_space<semaphore_mem>>) src(%dma_wait3A_50 : memref<100000x128xf32, #tpu.memory_space<hbm>>) dst(%dma_wait3A_44 : memref<64x128xf32, #tpu.memory_space<vmem>>)
    %dma_wait3A_51 = arith.constant 0 : i32
    %dma_wait3A_52 = arith.constant 64 : i32
    %dma_wait3A_53 = arith.constant 0 : i32
    %dma_wait3A_54 = tpu.memref_slice %arg7[%dma_wait3A_52, %dma_wait3A_53] : memref<128x128xf32, #tpu.memory_space<vmem>> -> memref<64x128xf32, #tpu.memory_space<vmem>>
    %dma_wait3A_55 = arith.constant 64 : i32
    %dma_wait3A_56 = tpu.memref_slice %arg6[%dma_wait3A_51, %dma_wait3A_55] : memref<60x128xi32, #tpu.memory_space<vmem>> -> memref<1x64xi32, #tpu.memory_space<vmem>>
    %dma_wait3A_57 = tpu.memref_squeeze %dma_wait3A_56 : memref<1x64xi32, #tpu.memory_space<vmem>> -> memref<64xi32, #tpu.memory_space<vmem>>
    %dma_wait3A_58 = arith.constant 0 : i32
    %dma_wait3A_59 = arith.constant 0 : i32
    %dma_wait3A_60 = tpu.memref_slice %arg3[%dma_wait3A_58, %dma_wait3A_59] : memref<100000x128xf32, #tpu.memory_space<hbm>> -> memref<100000x128xf32, #tpu.memory_space<hbm>>
    tpu.wait_indirect_dma semaphore(%arg10 : memref<!tpu.dma_semaphore, #tpu.memory_space<semaphore_mem>>) src(%dma_wait3A_60 : memref<100000x128xf32, #tpu.memory_space<hbm>>) dst(%dma_wait3A_54 : memref<64x128xf32, #tpu.memory_space<vmem>>)
    %scan3A_61 = arith.constant 0 : i32
    %scan3A_62 = arith.constant 1 : i32
    %scan3A_63 = arith.constant 59 : i32
    %scan3A_64 = arith.addi %scan3A_62, %scan3A_63 : i32
    %scan3A_65 = arith.constant 1 : i32
    scf.for %scan3A_113 = %scan3A_62 to %scan3A_64 step %scan3A_65  : i32 {
      %dma_start3A_114 = arith.constant 0 : i32
      %dma_start3A_115 = arith.constant 0 : i32
      %dma_start3A_116 = tpu.memref_slice %arg7[%dma_start3A_114, %dma_start3A_115] : memref<128x128xf32, #tpu.memory_space<vmem>> -> memref<64x128xf32, #tpu.memory_space<vmem>>
      %dma_start3A_117 = arith.constant 0 : i32
      %dma_start3A_118 = tpu.memref_slice %arg6[%scan3A_113, %dma_start3A_117] : memref<60x128xi32, #tpu.memory_space<vmem>> -> memref<1x64xi32, #tpu.memory_space<vmem>>
      %dma_start3A_119 = tpu.memref_squeeze %dma_start3A_118 : memref<1x64xi32, #tpu.memory_space<vmem>> -> memref<64xi32, #tpu.memory_space<vmem>>
      %dma_start3A_120 = arith.constant 0 : i32
      %dma_start3A_121 = arith.constant 0 : i32
      %dma_start3A_122 = tpu.memref_slice %arg3[%dma_start3A_120, %dma_start3A_121] : memref<100000x128xf32, #tpu.memory_space<hbm>> -> memref<100000x128xf32, #tpu.memory_space<hbm>>
      tpu.enqueue_indirect_dma source(%dma_start3A_122 : memref<100000x128xf32, #tpu.memory_space<hbm>>) target(%dma_start3A_116 : memref<64x128xf32, #tpu.memory_space<vmem>>) offsets(%dma_start3A_119 : memref<64xi32, #tpu.memory_space<vmem>>) semaphore(%arg9 : memref<!tpu.dma_semaphore, #tpu.memory_space<semaphore_mem>>) {add = true}
      %dma_start3A_123 = arith.constant 64 : i32
      %dma_start3A_124 = arith.constant 0 : i32
      %dma_start3A_125 = tpu.memref_slice %arg7[%dma_start3A_123, %dma_start3A_124] : memref<128x128xf32, #tpu.memory_space<vmem>> -> memref<64x128xf32, #tpu.memory_space<vmem>>
      %dma_start3A_126 = arith.constant 64 : i32
      %dma_start3A_127 = tpu.memref_slice %arg6[%scan3A_113, %dma_start3A_126] : memref<60x128xi32, #tpu.memory_space<vmem>> -> memref<1x64xi32, #tpu.memory_space<vmem>>
      %dma_start3A_128 = tpu.memref_squeeze %dma_start3A_127 : memref<1x64xi32, #tpu.memory_space<vmem>> -> memref<64xi32, #tpu.memory_space<vmem>>
      %dma_start3A_129 = arith.constant 0 : i32
      %dma_start3A_130 = arith.constant 0 : i32
      %dma_start3A_131 = tpu.memref_slice %arg3[%dma_start3A_129, %dma_start3A_130] : memref<100000x128xf32, #tpu.memory_space<hbm>> -> memref<100000x128xf32, #tpu.memory_space<hbm>>
      tpu.enqueue_indirect_dma source(%dma_start3A_131 : memref<100000x128xf32, #tpu.memory_space<hbm>>) target(%dma_start3A_125 : memref<64x128xf32, #tpu.memory_space<vmem>>) offsets(%dma_start3A_128 : memref<64xi32, #tpu.memory_space<vmem>>) semaphore(%arg10 : memref<!tpu.dma_semaphore, #tpu.memory_space<semaphore_mem>>) {add = true}
    }
    %scan3A_66 = arith.constant 59 : i32
    %scan3A_67 = arith.constant 0 : i32
    %scan3A_68 = arith.constant 1 : i32
    %scan3A_69 = arith.constant 59 : i32
    %scan3A_70 = arith.addi %scan3A_68, %scan3A_69 : i32
    %scan3A_71 = arith.constant 1 : i32
    scf.for %scan3A_113 = %scan3A_68 to %scan3A_70 step %scan3A_71  : i32 {
      %dma_wait3A_114 = arith.constant 0 : i32
      %dma_wait3A_115 = arith.constant 0 : i32
      %dma_wait3A_116 = tpu.memref_slice %arg7[%dma_wait3A_114, %dma_wait3A_115] : memref<128x128xf32, #tpu.memory_space<vmem>> -> memref<64x128xf32, #tpu.memory_space<vmem>>
      %dma_wait3A_117 = arith.constant 0 : i32
      %dma_wait3A_118 = arith.constant 0 : i32
      %dma_wait3A_119 = tpu.memref_slice %arg3[%dma_wait3A_117, %dma_wait3A_118] : memref<100000x128xf32, #tpu.memory_space<hbm>> -> memref<64x128xf32, #tpu.memory_space<hbm>>
      %dma_wait3A_120 = arith.constant 0 : i32
      %dma_wait3A_121 = arith.constant 0 : i32
      %dma_wait3A_122 = tpu.memref_slice %arg7[%dma_wait3A_120, %dma_wait3A_121] : memref<128x128xf32, #tpu.memory_space<vmem>> -> memref<64x128xf32, #tpu.memory_space<vmem>>
      %dma_wait3A_123 = arith.constant 0 : i32
      %dma_wait3A_124 = arith.constant 0 : i32
      %dma_wait3A_125 = tpu.memref_slice %arg3[%dma_wait3A_123, %dma_wait3A_124] : memref<100000x128xf32, #tpu.memory_space<hbm>> -> memref<64x128xf32, #tpu.memory_space<hbm>>
      tpu.wait_dma2 semaphore(%arg9 : memref<!tpu.dma_semaphore, #tpu.memory_space<semaphore_mem>>) src(%dma_wait3A_125 : memref<64x128xf32, #tpu.memory_space<hbm>>) dst(%dma_wait3A_122 : memref<64x128xf32, #tpu.memory_space<vmem>>)
    }
    %scan3A_72 = arith.constant 59 : i32
    %scan3A_73 = arith.constant 0 : i32
    %scan3A_74 = arith.constant 0 : i32
    %scan3A_75 = arith.constant 32 : i32
    %scan3A_76 = arith.addi %scan3A_74, %scan3A_75 : i32
    %scan3A_77 = arith.constant 1 : i32
    scf.for %scan3A_113 = %scan3A_74 to %scan3A_76 step %scan3A_77  : i32 {
      %mul3A_114 = arith.constant 2 : i32
      %mul3A_115 = arith.muli %mul3A_114, %scan3A_113 : i32
      %add3A_116 = arith.constant 0 : i32
      %add3A_117 = arith.addi %add3A_116, %mul3A_115 : i32
      %add3A_118 = arith.constant 0 : i32
      %add3A_119 = arith.addi %add3A_117, %add3A_118 : i32
      %get3A = arith.index_cast %add3A_119 : i32 to index
      %get3A_120 = arith.constant 0 : index
      %get3A_121 = tpu.vector_load %arg7[%get3A, %get3A_120] {strides = array<i32>} : memref<128x128xf32, #tpu.memory_space<vmem>>, vector<1x16xf32>,
      %get3A_122 = vector.shape_cast %get3A_121 : vector<1x16xf32> to vector<16xf32>
      %add3A_123 = arith.addf %get3A_122, %scan3A_40#0 : vector<16xf32>
      %mul3A_124 = arith.constant 5.699880e-03 : f32
      %mul3A_125 = vector.broadcast %mul3A_124 : f32 to vector<16xf32>
      %mul3A_126 = arith.mulf %add3A_123, %mul3A_125 : vector<16xf32>
      %add3A_127 = arith.constant 0 : i32
      %add3A_128 = arith.addi %add3A_117, %add3A_127 : i32
      %swap3A = arith.index_cast %add3A_128 : i32 to index
      %swap3A_129 = arith.constant 0 : index
      %swap3A_130 = tpu.vector_load %arg7[%swap3A, %swap3A_129] {strides = array<i32>} : memref<128x128xf32, #tpu.memory_space<vmem>>, vector<1x16xf32>,
      %swap3A_131 = vector.shape_cast %swap3A_130 : vector<1x16xf32> to vector<16xf32>
      %swap3A_132 = vector.shape_cast %mul3A_126 : vector<16xf32> to vector<1x16xf32>
      tpu.vector_store %arg7[%swap3A, %swap3A_129], %swap3A_132 {strides = array<i32>} : memref<128x128xf32, #tpu.memory_space<vmem>>, vector<1x16xf32>,
      %add3A_133 = arith.constant 0 : i32
      %add3A_134 = arith.addi %add3A_117, %add3A_133 : i32
      %get3A_135 = arith.index_cast %add3A_134 : i32 to index
      %get3A_136 = arith.constant 16 : index
      %get3A_137 = tpu.vector_load %arg7[%get3A_135, %get3A_136] {strides = array<i32>} : memref<128x128xf32, #tpu.memory_space<vmem>>, vector<1x16xf32>,
      %get3A_138 = vector.shape_cast %get3A_137 : vector<1x16xf32> to vector<16xf32>
      %add3A_139 = arith.addf %get3A_138, %scan3A_40#1 : vector<16xf32>
      %mul3A_140 = arith.constant 5.699880e-03 : f32
      %mul3A_141 = vector.broadcast %mul3A_140 : f32 to vector<16xf32>
      %mul3A_142 = arith.mulf %add3A_139, %mul3A_141 : vector<16xf32>
      %add3A_143 = arith.constant 0 : i32
      %add3A_144 = arith.addi %add3A_117, %add3A_143 : i32
      %swap3A_145 = arith.index_cast %add3A_144 : i32 to index
      %swap3A_146 = arith.constant 16 : index
      %swap3A_147 = tpu.vector_load %arg7[%swap3A_145, %swap3A_146] {strides = array<i32>} : memref<128x128xf32, #tpu.memory_space<vmem>>, vector<1x16xf32>,
      %swap3A_148 = vector.shape_cast %swap3A_147 : vector<1x16xf32> to vector<16xf32>
      %swap3A_149 = vector.shape_cast %mul3A_142 : vector<16xf32> to vector<1x16xf32>
      tpu.vector_store %arg7[%swap3A_145, %swap3A_146], %swap3A_149 {strides = array<i32>} : memref<128x128xf32, #tpu.memory_space<vmem>>, vector<1x16xf32>,
      %add3A_150 = arith.constant 0 : i32
      %add3A_151 = arith.addi %add3A_117, %add3A_150 : i32
      %get3A_152 = arith.index_cast %add3A_151 : i32 to index
      %get3A_153 = arith.constant 32 : index
      %get3A_154 = tpu.vector_load %arg7[%get3A_152, %get3A_153] {strides = array<i32>} : memref<128x128xf32, #tpu.memory_space<vmem>>, vector<1x16xf32>,
      %get3A_155 = vector.shape_cast %get3A_154 : vector<1x16xf32> to vector<16xf32>
      %add3A_156 = arith.addf %get3A_155, %scan3A_40#2 : vector<16xf32>
      %mul3A_157 = arith.constant 5.699880e-03 : f32
      %mul3A_158 = vector.broadcast %mul3A_157 : f32 to vector<16xf32>
      %mul3A_159 = arith.mulf %add3A_156, %mul3A_158 : vector<16xf32>
      %add3A_160 = arith.constant 0 : i32
      %add3A_161 = arith.addi %add3A_117, %add3A_160 : i32
      %swap3A_162 = arith.index_cast %add3A_161 : i32 to index
      %swap3A_163 = arith.constant 32 : index
      %swap3A_164 = tpu.vector_load %arg7[%swap3A_162, %swap3A_163] {strides = array<i32>} : memref<128x128xf32, #tpu.memory_space<vmem>>, vector<1x16xf32>,
      %swap3A_165 = vector.shape_cast %swap3A_164 : vector<1x16xf32> to vector<16xf32>
      %swap3A_166 = vector.shape_cast %mul3A_159 : vector<16xf32> to vector<1x16xf32>
      tpu.vector_store %arg7[%swap3A_162, %swap3A_163], %swap3A_166 {strides = array<i32>} : memref<128x128xf32, #tpu.memory_space<vmem>>, vector<1x16xf32>,
      %add3A_167 = arith.constant 0 : i32
      %add3A_168 = arith.addi %add3A_117, %add3A_167 : i32
      %get3A_169 = arith.index_cast %add3A_168 : i32 to index
      %get3A_170 = arith.constant 48 : index
      %get3A_171 = tpu.vector_load %arg7[%get3A_169, %get3A_170] {strides = array<i32>} : memref<128x128xf32, #tpu.memory_space<vmem>>, vector<1x16xf32>,
      %get3A_172 = vector.shape_cast %get3A_171 : vector<1x16xf32> to vector<16xf32>
      %add3A_173 = arith.addf %get3A_172, %scan3A_40#3 : vector<16xf32>
      %mul3A_174 = arith.constant 5.699880e-03 : f32
      %mul3A_175 = vector.broadcast %mul3A_174 : f32 to vector<16xf32>
      %mul3A_176 = arith.mulf %add3A_173, %mul3A_175 : vector<16xf32>
      %add3A_177 = arith.constant 0 : i32
      %add3A_178 = arith.addi %add3A_117, %add3A_177 : i32
      %swap3A_179 = arith.index_cast %add3A_178 : i32 to index
      %swap3A_180 = arith.constant 48 : index
      %swap3A_181 = tpu.vector_load %arg7[%swap3A_179, %swap3A_180] {strides = array<i32>} : memref<128x128xf32, #tpu.memory_space<vmem>>, vector<1x16xf32>,
      %swap3A_182 = vector.shape_cast %swap3A_181 : vector<1x16xf32> to vector<16xf32>
      %swap3A_183 = vector.shape_cast %mul3A_176 : vector<16xf32> to vector<1x16xf32>
      tpu.vector_store %arg7[%swap3A_179, %swap3A_180], %swap3A_183 {strides = array<i32>} : memref<128x128xf32, #tpu.memory_space<vmem>>, vector<1x16xf32>,
      %add3A_184 = arith.constant 0 : i32
      %add3A_185 = arith.addi %add3A_117, %add3A_184 : i32
      %get3A_186 = arith.index_cast %add3A_185 : i32 to index
      %get3A_187 = arith.constant 64 : index
      %get3A_188 = tpu.vector_load %arg7[%get3A_186, %get3A_187] {strides = array<i32>} : memref<128x128xf32, #tpu.memory_space<vmem>>, vector<1x16xf32>,
      %get3A_189 = vector.shape_cast %get3A_188 : vector<1x16xf32> to vector<16xf32>
      %add3A_190 = arith.addf %get3A_189, %scan3A_40#4 : vector<16xf32>
      %mul3A_191 = arith.constant 5.699880e-03 : f32
      %mul3A_192 = vector.broadcast %mul3A_191 : f32 to vector<16xf32>
      %mul3A_193 = arith.mulf %add3A_190, %mul3A_192 : vector<16xf32>
      %add3A_194 = arith.constant 0 : i32
      %add3A_195 = arith.addi %add3A_117, %add3A_194 : i32
      %swap3A_196 = arith.index_cast %add3A_195 : i32 to index
      %swap3A_197 = arith.constant 64 : index
      %swap3A_198 = tpu.vector_load %arg7[%swap3A_196, %swap3A_197] {strides = array<i32>} : memref<128x128xf32, #tpu.memory_space<vmem>>, vector<1x16xf32>,
      %swap3A_199 = vector.shape_cast %swap3A_198 : vector<1x16xf32> to vector<16xf32>
      %swap3A_200 = vector.shape_cast %mul3A_193 : vector<16xf32> to vector<1x16xf32>
      tpu.vector_store %arg7[%swap3A_196, %swap3A_197], %swap3A_200 {strides = array<i32>} : memref<128x128xf32, #tpu.memory_space<vmem>>, vector<1x16xf32>,
      %add3A_201 = arith.constant 0 : i32
      %add3A_202 = arith.addi %add3A_117, %add3A_201 : i32
      %get3A_203 = arith.index_cast %add3A_202 : i32 to index
      %get3A_204 = arith.constant 80 : index
      %get3A_205 = tpu.vector_load %arg7[%get3A_203, %get3A_204] {strides = array<i32>} : memref<128x128xf32, #tpu.memory_space<vmem>>, vector<1x16xf32>,
      %get3A_206 = vector.shape_cast %get3A_205 : vector<1x16xf32> to vector<16xf32>
      %add3A_207 = arith.addf %get3A_206, %scan3A_40#5 : vector<16xf32>
      %mul3A_208 = arith.constant 5.699880e-03 : f32
      %mul3A_209 = vector.broadcast %mul3A_208 : f32 to vector<16xf32>
      %mul3A_210 = arith.mulf %add3A_207, %mul3A_209 : vector<16xf32>
      %add3A_211 = arith.constant 0 : i32
      %add3A_212 = arith.addi %add3A_117, %add3A_211 : i32
      %swap3A_213 = arith.index_cast %add3A_212 : i32 to index
      %swap3A_214 = arith.constant 80 : index
      %swap3A_215 = tpu.vector_load %arg7[%swap3A_213, %swap3A_214] {strides = array<i32>} : memref<128x128xf32, #tpu.memory_space<vmem>>, vector<1x16xf32>,
      %swap3A_216 = vector.shape_cast %swap3A_215 : vector<1x16xf32> to vector<16xf32>
      %swap3A_217 = vector.shape_cast %mul3A_210 : vector<16xf32> to vector<1x16xf32>
      tpu.vector_store %arg7[%swap3A_213, %swap3A_214], %swap3A_217 {strides = array<i32>} : memref<128x128xf32, #tpu.memory_space<vmem>>, vector<1x16xf32>,
      %add3A_218 = arith.constant 0 : i32
      %add3A_219 = arith.addi %add3A_117, %add3A_218 : i32
      %get3A_220 = arith.index_cast %add3A_219 : i32 to index
      %get3A_221 = arith.constant 96 : index
      %get3A_222 = tpu.vector_load %arg7[%get3A_220, %get3A_221] {strides = array<i32>} : memref<128x128xf32, #tpu.memory_space<vmem>>, vector<1x16xf32>,
      %get3A_223 = vector.shape_cast %get3A_222 : vector<1x16xf32> to vector<16xf32>
      %add3A_224 = arith.addf %get3A_223, %scan3A_40#6 : vector<16xf32>
      %mul3A_225 = arith.constant 5.699880e-03 : f32
      %mul3A_226 = vector.broadcast %mul3A_225 : f32 to vector<16xf32>
      %mul3A_227 = arith.mulf %add3A_224, %mul3A_226 : vector<16xf32>
      %add3A_228 = arith.constant 0 : i32
      %add3A_229 = arith.addi %add3A_117, %add3A_228 : i32
      %swap3A_230 = arith.index_cast %add3A_229 : i32 to index
      %swap3A_231 = arith.constant 96 : index
      %swap3A_232 = tpu.vector_load %arg7[%swap3A_230, %swap3A_231] {strides = array<i32>} : memref<128x128xf32, #tpu.memory_space<vmem>>, vector<1x16xf32>,
      %swap3A_233 = vector.shape_cast %swap3A_232 : vector<1x16xf32> to vector<16xf32>
      %swap3A_234 = vector.shape_cast %mul3A_227 : vector<16xf32> to vector<1x16xf32>
      tpu.vector_store %arg7[%swap3A_230, %swap3A_231], %swap3A_234 {strides = array<i32>} : memref<128x128xf32, #tpu.memory_space<vmem>>, vector<1x16xf32>,
      %add3A_235 = arith.constant 0 : i32
      %add3A_236 = arith.addi %add3A_117, %add3A_235 : i32
      %get3A_237 = arith.index_cast %add3A_236 : i32 to index
      %get3A_238 = arith.constant 112 : index
      %get3A_239 = tpu.vector_load %arg7[%get3A_237, %get3A_238] {strides = array<i32>} : memref<128x128xf32, #tpu.memory_space<vmem>>, vector<1x16xf32>,
      %get3A_240 = vector.shape_cast %get3A_239 : vector<1x16xf32> to vector<16xf32>
      %add3A_241 = arith.addf %get3A_240, %scan3A_40#7 : vector<16xf32>
      %mul3A_242 = arith.constant 5.699880e-03 : f32
      %mul3A_243 = vector.broadcast %mul3A_242 : f32 to vector<16xf32>
      %mul3A_244 = arith.mulf %add3A_241, %mul3A_243 : vector<16xf32>
      %add3A_245 = arith.constant 0 : i32
      %add3A_246 = arith.addi %add3A_117, %add3A_245 : i32
      %swap3A_247 = arith.index_cast %add3A_246 : i32 to index
      %swap3A_248 = arith.constant 112 : index
      %swap3A_249 = tpu.vector_load %arg7[%swap3A_247, %swap3A_248] {strides = array<i32>} : memref<128x128xf32, #tpu.memory_space<vmem>>, vector<1x16xf32>,
      %swap3A_250 = vector.shape_cast %swap3A_249 : vector<1x16xf32> to vector<16xf32>
      %swap3A_251 = vector.shape_cast %mul3A_244 : vector<16xf32> to vector<1x16xf32>
      tpu.vector_store %arg7[%swap3A_247, %swap3A_248], %swap3A_251 {strides = array<i32>} : memref<128x128xf32, #tpu.memory_space<vmem>>, vector<1x16xf32>,
      %add3A_252 = arith.constant 1 : i32
      %add3A_253 = arith.addi %add3A_117, %add3A_252 : i32
      %get3A_254 = arith.index_cast %add3A_253 : i32 to index
      %get3A_255 = arith.constant 0 : index
      %get3A_256 = tpu.vector_load %arg7[%get3A_254, %get3A_255] {strides = array<i32>} : memref<128x128xf32, #tpu.memory_space<vmem>>, vector<1x16xf32>,
      %get3A_257 = vector.shape_cast %get3A_256 : vector<1x16xf32> to vector<16xf32>
      %add3A_258 = arith.addf %get3A_257, %scan3A_40#0 : vector<16xf32>
      %mul3A_259 = arith.constant 5.699880e-03 : f32
      %mul3A_260 = vector.broadcast %mul3A_259 : f32 to vector<16xf32>
      %mul3A_261 = arith.mulf %add3A_258, %mul3A_260 : vector<16xf32>
      %add3A_262 = arith.constant 1 : i32
      %add3A_263 = arith.addi %add3A_117, %add3A_262 : i32
      %swap3A_264 = arith.index_cast %add3A_263 : i32 to index
      %swap3A_265 = arith.constant 0 : index
      %swap3A_266 = tpu.vector_load %arg7[%swap3A_264, %swap3A_265] {strides = array<i32>} : memref<128x128xf32, #tpu.memory_space<vmem>>, vector<1x16xf32>,
      %swap3A_267 = vector.shape_cast %swap3A_266 : vector<1x16xf32> to vector<16xf32>
      %swap3A_268 = vector.shape_cast %mul3A_261 : vector<16xf32> to vector<1x16xf32>
      tpu.vector_store %arg7[%swap3A_264, %swap3A_265], %swap3A_268 {strides = array<i32>} : memref<128x128xf32, #tpu.memory_space<vmem>>, vector<1x16xf32>,
      %add3A_269 = arith.constant 1 : i32
      %add3A_270 = arith.addi %add3A_117, %add3A_269 : i32
      %get3A_271 = arith.index_cast %add3A_270 : i32 to index
      %get3A_272 = arith.constant 16 : index
      %get3A_273 = tpu.vector_load %arg7[%get3A_271, %get3A_272] {strides = array<i32>} : memref<128x128xf32, #tpu.memory_space<vmem>>, vector<1x16xf32>,
      %get3A_274 = vector.shape_cast %get3A_273 : vector<1x16xf32> to vector<16xf32>
      %add3A_275 = arith.addf %get3A_274, %scan3A_40#1 : vector<16xf32>
      %mul3A_276 = arith.constant 5.699880e-03 : f32
      %mul3A_277 = vector.broadcast %mul3A_276 : f32 to vector<16xf32>
      %mul3A_278 = arith.mulf %add3A_275, %mul3A_277 : vector<16xf32>
      %add3A_279 = arith.constant 1 : i32
      %add3A_280 = arith.addi %add3A_117, %add3A_279 : i32
      %swap3A_281 = arith.index_cast %add3A_280 : i32 to index
      %swap3A_282 = arith.constant 16 : index
      %swap3A_283 = tpu.vector_load %arg7[%swap3A_281, %swap3A_282] {strides = array<i32>} : memref<128x128xf32, #tpu.memory_space<vmem>>, vector<1x16xf32>,
      %swap3A_284 = vector.shape_cast %swap3A_283 : vector<1x16xf32> to vector<16xf32>
      %swap3A_285 = vector.shape_cast %mul3A_278 : vector<16xf32> to vector<1x16xf32>
      tpu.vector_store %arg7[%swap3A_281, %swap3A_282], %swap3A_285 {strides = array<i32>} : memref<128x128xf32, #tpu.memory_space<vmem>>, vector<1x16xf32>,
      %add3A_286 = arith.constant 1 : i32
      %add3A_287 = arith.addi %add3A_117, %add3A_286 : i32
      %get3A_288 = arith.index_cast %add3A_287 : i32 to index
      %get3A_289 = arith.constant 32 : index
      %get3A_290 = tpu.vector_load %arg7[%get3A_288, %get3A_289] {strides = array<i32>} : memref<128x128xf32, #tpu.memory_space<vmem>>, vector<1x16xf32>,
      %get3A_291 = vector.shape_cast %get3A_290 : vector<1x16xf32> to vector<16xf32>
      %add3A_292 = arith.addf %get3A_291, %scan3A_40#2 : vector<16xf32>
      %mul3A_293 = arith.constant 5.699880e-03 : f32
      %mul3A_294 = vector.broadcast %mul3A_293 : f32 to vector<16xf32>
      %mul3A_295 = arith.mulf %add3A_292, %mul3A_294 : vector<16xf32>
      %add3A_296 = arith.constant 1 : i32
      %add3A_297 = arith.addi %add3A_117, %add3A_296 : i32
      %swap3A_298 = arith.index_cast %add3A_297 : i32 to index
      %swap3A_299 = arith.constant 32 : index
      %swap3A_300 = tpu.vector_load %arg7[%swap3A_298, %swap3A_299] {strides = array<i32>} : memref<128x128xf32, #tpu.memory_space<vmem>>, vector<1x16xf32>,
      %swap3A_301 = vector.shape_cast %swap3A_300 : vector<1x16xf32> to vector<16xf32>
      %swap3A_302 = vector.shape_cast %mul3A_295 : vector<16xf32> to vector<1x16xf32>
      tpu.vector_store %arg7[%swap3A_298, %swap3A_299], %swap3A_302 {strides = array<i32>} : memref<128x128xf32, #tpu.memory_space<vmem>>, vector<1x16xf32>,
      %add3A_303 = arith.constant 1 : i32
      %add3A_304 = arith.addi %add3A_117, %add3A_303 : i32
      %get3A_305 = arith.index_cast %add3A_304 : i32 to index
      %get3A_306 = arith.constant 48 : index
      %get3A_307 = tpu.vector_load %arg7[%get3A_305, %get3A_306] {strides = array<i32>} : memref<128x128xf32, #tpu.memory_space<vmem>>, vector<1x16xf32>,
      %get3A_308 = vector.shape_cast %get3A_307 : vector<1x16xf32> to vector<16xf32>
      %add3A_309 = arith.addf %get3A_308, %scan3A_40#3 : vector<16xf32>
      %mul3A_310 = arith.constant 5.699880e-03 : f32
      %mul3A_311 = vector.broadcast %mul3A_310 : f32 to vector<16xf32>
      %mul3A_312 = arith.mulf %add3A_309, %mul3A_311 : vector<16xf32>
      %add3A_313 = arith.constant 1 : i32
      %add3A_314 = arith.addi %add3A_117, %add3A_313 : i32
      %swap3A_315 = arith.index_cast %add3A_314 : i32 to index
      %swap3A_316 = arith.constant 48 : index
      %swap3A_317 = tpu.vector_load %arg7[%swap3A_315, %swap3A_316] {strides = array<i32>} : memref<128x128xf32, #tpu.memory_space<vmem>>, vector<1x16xf32>,
      %swap3A_318 = vector.shape_cast %swap3A_317 : vector<1x16xf32> to vector<16xf32>
      %swap3A_319 = vector.shape_cast %mul3A_312 : vector<16xf32> to vector<1x16xf32>
      tpu.vector_store %arg7[%swap3A_315, %swap3A_316], %swap3A_319 {strides = array<i32>} : memref<128x128xf32, #tpu.memory_space<vmem>>, vector<1x16xf32>,
      %add3A_320 = arith.constant 1 : i32
      %add3A_321 = arith.addi %add3A_117, %add3A_320 : i32
      %get3A_322 = arith.index_cast %add3A_321 : i32 to index
      %get3A_323 = arith.constant 64 : index
      %get3A_324 = tpu.vector_load %arg7[%get3A_322, %get3A_323] {strides = array<i32>} : memref<128x128xf32, #tpu.memory_space<vmem>>, vector<1x16xf32>,
      %get3A_325 = vector.shape_cast %get3A_324 : vector<1x16xf32> to vector<16xf32>
      %add3A_326 = arith.addf %get3A_325, %scan3A_40#4 : vector<16xf32>
      %mul3A_327 = arith.constant 5.699880e-03 : f32
      %mul3A_328 = vector.broadcast %mul3A_327 : f32 to vector<16xf32>
      %mul3A_329 = arith.mulf %add3A_326, %mul3A_328 : vector<16xf32>
      %add3A_330 = arith.constant 1 : i32
      %add3A_331 = arith.addi %add3A_117, %add3A_330 : i32
      %swap3A_332 = arith.index_cast %add3A_331 : i32 to index
      %swap3A_333 = arith.constant 64 : index
      %swap3A_334 = tpu.vector_load %arg7[%swap3A_332, %swap3A_333] {strides = array<i32>} : memref<128x128xf32, #tpu.memory_space<vmem>>, vector<1x16xf32>,
      %swap3A_335 = vector.shape_cast %swap3A_334 : vector<1x16xf32> to vector<16xf32>
      %swap3A_336 = vector.shape_cast %mul3A_329 : vector<16xf32> to vector<1x16xf32>
      tpu.vector_store %arg7[%swap3A_332, %swap3A_333], %swap3A_336 {strides = array<i32>} : memref<128x128xf32, #tpu.memory_space<vmem>>, vector<1x16xf32>,
      %add3A_337 = arith.constant 1 : i32
      %add3A_338 = arith.addi %add3A_117, %add3A_337 : i32
      %get3A_339 = arith.index_cast %add3A_338 : i32 to index
      %get3A_340 = arith.constant 80 : index
      %get3A_341 = tpu.vector_load %arg7[%get3A_339, %get3A_340] {strides = array<i32>} : memref<128x128xf32, #tpu.memory_space<vmem>>, vector<1x16xf32>,
      %get3A_342 = vector.shape_cast %get3A_341 : vector<1x16xf32> to vector<16xf32>
      %add3A_343 = arith.addf %get3A_342, %scan3A_40#5 : vector<16xf32>
      %mul3A_344 = arith.constant 5.699880e-03 : f32
      %mul3A_345 = vector.broadcast %mul3A_344 : f32 to vector<16xf32>
      %mul3A_346 = arith.mulf %add3A_343, %mul3A_345 : vector<16xf32>
      %add3A_347 = arith.constant 1 : i32
      %add3A_348 = arith.addi %add3A_117, %add3A_347 : i32
      %swap3A_349 = arith.index_cast %add3A_348 : i32 to index
      %swap3A_350 = arith.constant 80 : index
      %swap3A_351 = tpu.vector_load %arg7[%swap3A_349, %swap3A_350] {strides = array<i32>} : memref<128x128xf32, #tpu.memory_space<vmem>>, vector<1x16xf32>,
      %swap3A_352 = vector.shape_cast %swap3A_351 : vector<1x16xf32> to vector<16xf32>
      %swap3A_353 = vector.shape_cast %mul3A_346 : vector<16xf32> to vector<1x16xf32>
      tpu.vector_store %arg7[%swap3A_349, %swap3A_350], %swap3A_353 {strides = array<i32>} : memref<128x128xf32, #tpu.memory_space<vmem>>, vector<1x16xf32>,
      %add3A_354 = arith.constant 1 : i32
      %add3A_355 = arith.addi %add3A_117, %add3A_354 : i32
      %get3A_356 = arith.index_cast %add3A_355 : i32 to index
      %get3A_357 = arith.constant 96 : index
      %get3A_358 = tpu.vector_load %arg7[%get3A_356, %get3A_357] {strides = array<i32>} : memref<128x128xf32, #tpu.memory_space<vmem>>, vector<1x16xf32>,
      %get3A_359 = vector.shape_cast %get3A_358 : vector<1x16xf32> to vector<16xf32>
      %add3A_360 = arith.addf %get3A_359, %scan3A_40#6 : vector<16xf32>
      %mul3A_361 = arith.constant 5.699880e-03 : f32
      %mul3A_362 = vector.broadcast %mul3A_361 : f32 to vector<16xf32>
      %mul3A_363 = arith.mulf %add3A_360, %mul3A_362 : vector<16xf32>
      %add3A_364 = arith.constant 1 : i32
      %add3A_365 = arith.addi %add3A_117, %add3A_364 : i32
      %swap3A_366 = arith.index_cast %add3A_365 : i32 to index
      %swap3A_367 = arith.constant 96 : index
      %swap3A_368 = tpu.vector_load %arg7[%swap3A_366, %swap3A_367] {strides = array<i32>} : memref<128x128xf32, #tpu.memory_space<vmem>>, vector<1x16xf32>,
      %swap3A_369 = vector.shape_cast %swap3A_368 : vector<1x16xf32> to vector<16xf32>
      %swap3A_370 = vector.shape_cast %mul3A_363 : vector<16xf32> to vector<1x16xf32>
      tpu.vector_store %arg7[%swap3A_366, %swap3A_367], %swap3A_370 {strides = array<i32>} : memref<128x128xf32, #tpu.memory_space<vmem>>, vector<1x16xf32>,
      %add3A_371 = arith.constant 1 : i32
      %add3A_372 = arith.addi %add3A_117, %add3A_371 : i32
      %get3A_373 = arith.index_cast %add3A_372 : i32 to index
      %get3A_374 = arith.constant 112 : index
      %get3A_375 = tpu.vector_load %arg7[%get3A_373, %get3A_374] {strides = array<i32>} : memref<128x128xf32, #tpu.memory_space<vmem>>, vector<1x16xf32>,
      %get3A_376 = vector.shape_cast %get3A_375 : vector<1x16xf32> to vector<16xf32>
      %add3A_377 = arith.addf %get3A_376, %scan3A_40#7 : vector<16xf32>
      %mul3A_378 = arith.constant 5.699880e-03 : f32
      %mul3A_379 = vector.broadcast %mul3A_378 : f32 to vector<16xf32>
      %mul3A_380 = arith.mulf %add3A_377, %mul3A_379 : vector<16xf32>
      %add3A_381 = arith.constant 1 : i32
      %add3A_382 = arith.addi %add3A_117, %add3A_381 : i32
      %swap3A_383 = arith.index_cast %add3A_382 : i32 to index
      %swap3A_384 = arith.constant 112 : index
      %swap3A_385 = tpu.vector_load %arg7[%swap3A_383, %swap3A_384] {strides = array<i32>} : memref<128x128xf32, #tpu.memory_space<vmem>>, vector<1x16xf32>,
      %swap3A_386 = vector.shape_cast %swap3A_385 : vector<1x16xf32> to vector<16xf32>
      %swap3A_387 = vector.shape_cast %mul3A_380 : vector<16xf32> to vector<1x16xf32>
      tpu.vector_store %arg7[%swap3A_383, %swap3A_384], %swap3A_387 {strides = array<i32>} : memref<128x128xf32, #tpu.memory_space<vmem>>, vector<1x16xf32>,
    }
    %scan3A_78 = arith.constant 32 : i32
    %dma_start3A_79 = arith.constant 0 : i32
    %dma_start3A_80 = arith.constant 0 : i32
    %dma_start3A_81 = tpu.memref_slice %arg7[%dma_start3A_79, %dma_start3A_80] : memref<128x128xf32, #tpu.memory_space<vmem>> -> memref<64x128xf32, #tpu.memory_space<vmem>>
    %dma_start3A_82 = arith.constant 0 : i32
    %dma_start3A_83 = tpu.memref_slice %arg5[%mul3A_2, %dma_start3A_82] : memref<4096x128xf32, #tpu.memory_space<hbm>> -> memref<64x128xf32, #tpu.memory_space<hbm>>
    %dma_start3A_84 = arith.constant 0 : i32
    %dma_start3A_85 = tpu.memref_slice %arg5[%mul3A_2, %dma_start3A_84] : memref<4096x128xf32, #tpu.memory_space<hbm>> -> memref<64x128xf32, #tpu.memory_space<hbm>>
    %dma_start3A_86 = arith.constant 0 : i32
    %dma_start3A_87 = arith.constant 0 : i32
    %dma_start3A_88 = tpu.memref_slice %arg7[%dma_start3A_86, %dma_start3A_87] : memref<128x128xf32, #tpu.memory_space<vmem>> -> memref<64x128xf32, #tpu.memory_space<vmem>>
    tpu.enqueue_dma source(%dma_start3A_88 : memref<64x128xf32, #tpu.memory_space<vmem>>) target(%dma_start3A_85 : memref<64x128xf32, #tpu.memory_space<hbm>>) target_semaphore(%arg11 : memref<!tpu.dma_semaphore, #tpu.memory_space<semaphore_mem>>)
    %scan3A_89 = arith.constant 0 : i32
    %scan3A_90 = arith.constant 1 : i32
    %scan3A_91 = arith.constant 59 : i32
    %scan3A_92 = arith.addi %scan3A_90, %scan3A_91 : i32
    %scan3A_93 = arith.constant 1 : i32
    scf.for %scan3A_113 = %scan3A_90 to %scan3A_92 step %scan3A_93  : i32 {
      %dma_wait3A_114 = arith.constant 64 : i32
      %dma_wait3A_115 = arith.constant 0 : i32
      %dma_wait3A_116 = tpu.memref_slice %arg7[%dma_wait3A_114, %dma_wait3A_115] : memref<128x128xf32, #tpu.memory_space<vmem>> -> memref<64x128xf32, #tpu.memory_space<vmem>>
      %dma_wait3A_117 = arith.constant 0 : i32
      %dma_wait3A_118 = arith.constant 0 : i32
      %dma_wait3A_119 = tpu.memref_slice %arg3[%dma_wait3A_117, %dma_wait3A_118] : memref<100000x128xf32, #tpu.memory_space<hbm>> -> memref<64x128xf32, #tpu.memory_space<hbm>>
      %dma_wait3A_120 = arith.constant 64 : i32
      %dma_wait3A_121 = arith.constant 0 : i32
      %dma_wait3A_122 = tpu.memref_slice %arg7[%dma_wait3A_120, %dma_wait3A_121] : memref<128x128xf32, #tpu.memory_space<vmem>> -> memref<64x128xf32, #tpu.memory_space<vmem>>
      %dma_wait3A_123 = arith.constant 0 : i32
      %dma_wait3A_124 = arith.constant 0 : i32
      %dma_wait3A_125 = tpu.memref_slice %arg3[%dma_wait3A_123, %dma_wait3A_124] : memref<100000x128xf32, #tpu.memory_space<hbm>> -> memref<64x128xf32, #tpu.memory_space<hbm>>
      tpu.wait_dma2 semaphore(%arg10 : memref<!tpu.dma_semaphore, #tpu.memory_space<semaphore_mem>>) src(%dma_wait3A_125 : memref<64x128xf32, #tpu.memory_space<hbm>>) dst(%dma_wait3A_122 : memref<64x128xf32, #tpu.memory_space<vmem>>)
    }
    %scan3A_94 = arith.constant 59 : i32
    %scan3A_95 = arith.constant 0 : i32
    %scan3A_96 = arith.constant 0 : i32
    %scan3A_97 = arith.constant 32 : i32
    %scan3A_98 = arith.addi %scan3A_96, %scan3A_97 : i32
    %scan3A_99 = arith.constant 1 : i32
    scf.for %scan3A_113 = %scan3A_96 to %scan3A_98 step %scan3A_99  : i32 {
      %mul3A_114 = arith.constant 2 : i32
      %mul3A_115 = arith.muli %mul3A_114, %scan3A_113 : i32
      %add3A_116 = arith.constant 64 : i32
      %add3A_117 = arith.addi %add3A_116, %mul3A_115 : i32
      %add3A_118 = arith.constant 0 : i32
      %add3A_119 = arith.addi %add3A_117, %add3A_118 : i32
      %get3A = arith.index_cast %add3A_119 : i32 to index
      %get3A_120 = arith.constant 0 : index
      %get3A_121 = tpu.vector_load %arg7[%get3A, %get3A_120] {strides = array<i32>} : memref<128x128xf32, #tpu.memory_space<vmem>>, vector<1x16xf32>,
      %get3A_122 = vector.shape_cast %get3A_121 : vector<1x16xf32> to vector<16xf32>
      %add3A_123 = arith.addf %get3A_122, %scan3A_40#0 : vector<16xf32>
      %mul3A_124 = arith.constant 5.699880e-03 : f32
      %mul3A_125 = vector.broadcast %mul3A_124 : f32 to vector<16xf32>
      %mul3A_126 = arith.mulf %add3A_123, %mul3A_125 : vector<16xf32>
      %add3A_127 = arith.constant 0 : i32
      %add3A_128 = arith.addi %add3A_117, %add3A_127 : i32
      %swap3A = arith.index_cast %add3A_128 : i32 to index
      %swap3A_129 = arith.constant 0 : index
      %swap3A_130 = tpu.vector_load %arg7[%swap3A, %swap3A_129] {strides = array<i32>} : memref<128x128xf32, #tpu.memory_space<vmem>>, vector<1x16xf32>,
      %swap3A_131 = vector.shape_cast %swap3A_130 : vector<1x16xf32> to vector<16xf32>
      %swap3A_132 = vector.shape_cast %mul3A_126 : vector<16xf32> to vector<1x16xf32>
      tpu.vector_store %arg7[%swap3A, %swap3A_129], %swap3A_132 {strides = array<i32>} : memref<128x128xf32, #tpu.memory_space<vmem>>, vector<1x16xf32>,
      %add3A_133 = arith.constant 0 : i32
      %add3A_134 = arith.addi %add3A_117, %add3A_133 : i32
      %get3A_135 = arith.index_cast %add3A_134 : i32 to index
      %get3A_136 = arith.constant 16 : index
      %get3A_137 = tpu.vector_load %arg7[%get3A_135, %get3A_136] {strides = array<i32>} : memref<128x128xf32, #tpu.memory_space<vmem>>, vector<1x16xf32>,
      %get3A_138 = vector.shape_cast %get3A_137 : vector<1x16xf32> to vector<16xf32>
      %add3A_139 = arith.addf %get3A_138, %scan3A_40#1 : vector<16xf32>
      %mul3A_140 = arith.constant 5.699880e-03 : f32
      %mul3A_141 = vector.broadcast %mul3A_140 : f32 to vector<16xf32>
      %mul3A_142 = arith.mulf %add3A_139, %mul3A_141 : vector<16xf32>
      %add3A_143 = arith.constant 0 : i32
      %add3A_144 = arith.addi %add3A_117, %add3A_143 : i32
      %swap3A_145 = arith.index_cast %add3A_144 : i32 to index
      %swap3A_146 = arith.constant 16 : index
      %swap3A_147 = tpu.vector_load %arg7[%swap3A_145, %swap3A_146] {strides = array<i32>} : memref<128x128xf32, #tpu.memory_space<vmem>>, vector<1x16xf32>,
      %swap3A_148 = vector.shape_cast %swap3A_147 : vector<1x16xf32> to vector<16xf32>
      %swap3A_149 = vector.shape_cast %mul3A_142 : vector<16xf32> to vector<1x16xf32>
      tpu.vector_store %arg7[%swap3A_145, %swap3A_146], %swap3A_149 {strides = array<i32>} : memref<128x128xf32, #tpu.memory_space<vmem>>, vector<1x16xf32>,
      %add3A_150 = arith.constant 0 : i32
      %add3A_151 = arith.addi %add3A_117, %add3A_150 : i32
      %get3A_152 = arith.index_cast %add3A_151 : i32 to index
      %get3A_153 = arith.constant 32 : index
      %get3A_154 = tpu.vector_load %arg7[%get3A_152, %get3A_153] {strides = array<i32>} : memref<128x128xf32, #tpu.memory_space<vmem>>, vector<1x16xf32>,
      %get3A_155 = vector.shape_cast %get3A_154 : vector<1x16xf32> to vector<16xf32>
      %add3A_156 = arith.addf %get3A_155, %scan3A_40#2 : vector<16xf32>
      %mul3A_157 = arith.constant 5.699880e-03 : f32
      %mul3A_158 = vector.broadcast %mul3A_157 : f32 to vector<16xf32>
      %mul3A_159 = arith.mulf %add3A_156, %mul3A_158 : vector<16xf32>
      %add3A_160 = arith.constant 0 : i32
      %add3A_161 = arith.addi %add3A_117, %add3A_160 : i32
      %swap3A_162 = arith.index_cast %add3A_161 : i32 to index
      %swap3A_163 = arith.constant 32 : index
      %swap3A_164 = tpu.vector_load %arg7[%swap3A_162, %swap3A_163] {strides = array<i32>} : memref<128x128xf32, #tpu.memory_space<vmem>>, vector<1x16xf32>,
      %swap3A_165 = vector.shape_cast %swap3A_164 : vector<1x16xf32> to vector<16xf32>
      %swap3A_166 = vector.shape_cast %mul3A_159 : vector<16xf32> to vector<1x16xf32>
      tpu.vector_store %arg7[%swap3A_162, %swap3A_163], %swap3A_166 {strides = array<i32>} : memref<128x128xf32, #tpu.memory_space<vmem>>, vector<1x16xf32>,
      %add3A_167 = arith.constant 0 : i32
      %add3A_168 = arith.addi %add3A_117, %add3A_167 : i32
      %get3A_169 = arith.index_cast %add3A_168 : i32 to index
      %get3A_170 = arith.constant 48 : index
      %get3A_171 = tpu.vector_load %arg7[%get3A_169, %get3A_170] {strides = array<i32>} : memref<128x128xf32, #tpu.memory_space<vmem>>, vector<1x16xf32>,
      %get3A_172 = vector.shape_cast %get3A_171 : vector<1x16xf32> to vector<16xf32>
      %add3A_173 = arith.addf %get3A_172, %scan3A_40#3 : vector<16xf32>
      %mul3A_174 = arith.constant 5.699880e-03 : f32
      %mul3A_175 = vector.broadcast %mul3A_174 : f32 to vector<16xf32>
      %mul3A_176 = arith.mulf %add3A_173, %mul3A_175 : vector<16xf32>
      %add3A_177 = arith.constant 0 : i32
      %add3A_178 = arith.addi %add3A_117, %add3A_177 : i32
      %swap3A_179 = arith.index_cast %add3A_178 : i32 to index
      %swap3A_180 = arith.constant 48 : index
      %swap3A_181 = tpu.vector_load %arg7[%swap3A_179, %swap3A_180] {strides = array<i32>} : memref<128x128xf32, #tpu.memory_space<vmem>>, vector<1x16xf32>,
      %swap3A_182 = vector.shape_cast %swap3A_181 : vector<1x16xf32> to vector<16xf32>
      %swap3A_183 = vector.shape_cast %mul3A_176 : vector<16xf32> to vector<1x16xf32>
      tpu.vector_store %arg7[%swap3A_179, %swap3A_180], %swap3A_183 {strides = array<i32>} : memref<128x128xf32, #tpu.memory_space<vmem>>, vector<1x16xf32>,
      %add3A_184 = arith.constant 0 : i32
      %add3A_185 = arith.addi %add3A_117, %add3A_184 : i32
      %get3A_186 = arith.index_cast %add3A_185 : i32 to index
      %get3A_187 = arith.constant 64 : index
      %get3A_188 = tpu.vector_load %arg7[%get3A_186, %get3A_187] {strides = array<i32>} : memref<128x128xf32, #tpu.memory_space<vmem>>, vector<1x16xf32>,
      %get3A_189 = vector.shape_cast %get3A_188 : vector<1x16xf32> to vector<16xf32>
      %add3A_190 = arith.addf %get3A_189, %scan3A_40#4 : vector<16xf32>
      %mul3A_191 = arith.constant 5.699880e-03 : f32
      %mul3A_192 = vector.broadcast %mul3A_191 : f32 to vector<16xf32>
      %mul3A_193 = arith.mulf %add3A_190, %mul3A_192 : vector<16xf32>
      %add3A_194 = arith.constant 0 : i32
      %add3A_195 = arith.addi %add3A_117, %add3A_194 : i32
      %swap3A_196 = arith.index_cast %add3A_195 : i32 to index
      %swap3A_197 = arith.constant 64 : index
      %swap3A_198 = tpu.vector_load %arg7[%swap3A_196, %swap3A_197] {strides = array<i32>} : memref<128x128xf32, #tpu.memory_space<vmem>>, vector<1x16xf32>,
      %swap3A_199 = vector.shape_cast %swap3A_198 : vector<1x16xf32> to vector<16xf32>
      %swap3A_200 = vector.shape_cast %mul3A_193 : vector<16xf32> to vector<1x16xf32>
      tpu.vector_store %arg7[%swap3A_196, %swap3A_197], %swap3A_200 {strides = array<i32>} : memref<128x128xf32, #tpu.memory_space<vmem>>, vector<1x16xf32>,
      %add3A_201 = arith.constant 0 : i32
      %add3A_202 = arith.addi %add3A_117, %add3A_201 : i32
      %get3A_203 = arith.index_cast %add3A_202 : i32 to index
      %get3A_204 = arith.constant 80 : index
      %get3A_205 = tpu.vector_load %arg7[%get3A_203, %get3A_204] {strides = array<i32>} : memref<128x128xf32, #tpu.memory_space<vmem>>, vector<1x16xf32>,
      %get3A_206 = vector.shape_cast %get3A_205 : vector<1x16xf32> to vector<16xf32>
      %add3A_207 = arith.addf %get3A_206, %scan3A_40#5 : vector<16xf32>
      %mul3A_208 = arith.constant 5.699880e-03 : f32
      %mul3A_209 = vector.broadcast %mul3A_208 : f32 to vector<16xf32>
      %mul3A_210 = arith.mulf %add3A_207, %mul3A_209 : vector<16xf32>
      %add3A_211 = arith.constant 0 : i32
      %add3A_212 = arith.addi %add3A_117, %add3A_211 : i32
      %swap3A_213 = arith.index_cast %add3A_212 : i32 to index
      %swap3A_214 = arith.constant 80 : index
      %swap3A_215 = tpu.vector_load %arg7[%swap3A_213, %swap3A_214] {strides = array<i32>} : memref<128x128xf32, #tpu.memory_space<vmem>>, vector<1x16xf32>,
      %swap3A_216 = vector.shape_cast %swap3A_215 : vector<1x16xf32> to vector<16xf32>
      %swap3A_217 = vector.shape_cast %mul3A_210 : vector<16xf32> to vector<1x16xf32>
      tpu.vector_store %arg7[%swap3A_213, %swap3A_214], %swap3A_217 {strides = array<i32>} : memref<128x128xf32, #tpu.memory_space<vmem>>, vector<1x16xf32>,
      %add3A_218 = arith.constant 0 : i32
      %add3A_219 = arith.addi %add3A_117, %add3A_218 : i32
      %get3A_220 = arith.index_cast %add3A_219 : i32 to index
      %get3A_221 = arith.constant 96 : index
      %get3A_222 = tpu.vector_load %arg7[%get3A_220, %get3A_221] {strides = array<i32>} : memref<128x128xf32, #tpu.memory_space<vmem>>, vector<1x16xf32>,
      %get3A_223 = vector.shape_cast %get3A_222 : vector<1x16xf32> to vector<16xf32>
      %add3A_224 = arith.addf %get3A_223, %scan3A_40#6 : vector<16xf32>
      %mul3A_225 = arith.constant 5.699880e-03 : f32
      %mul3A_226 = vector.broadcast %mul3A_225 : f32 to vector<16xf32>
      %mul3A_227 = arith.mulf %add3A_224, %mul3A_226 : vector<16xf32>
      %add3A_228 = arith.constant 0 : i32
      %add3A_229 = arith.addi %add3A_117, %add3A_228 : i32
      %swap3A_230 = arith.index_cast %add3A_229 : i32 to index
      %swap3A_231 = arith.constant 96 : index
      %swap3A_232 = tpu.vector_load %arg7[%swap3A_230, %swap3A_231] {strides = array<i32>} : memref<128x128xf32, #tpu.memory_space<vmem>>, vector<1x16xf32>,
      %swap3A_233 = vector.shape_cast %swap3A_232 : vector<1x16xf32> to vector<16xf32>
      %swap3A_234 = vector.shape_cast %mul3A_227 : vector<16xf32> to vector<1x16xf32>
      tpu.vector_store %arg7[%swap3A_230, %swap3A_231], %swap3A_234 {strides = array<i32>} : memref<128x128xf32, #tpu.memory_space<vmem>>, vector<1x16xf32>,
      %add3A_235 = arith.constant 0 : i32
      %add3A_236 = arith.addi %add3A_117, %add3A_235 : i32
      %get3A_237 = arith.index_cast %add3A_236 : i32 to index
      %get3A_238 = arith.constant 112 : index
      %get3A_239 = tpu.vector_load %arg7[%get3A_237, %get3A_238] {strides = array<i32>} : memref<128x128xf32, #tpu.memory_space<vmem>>, vector<1x16xf32>,
      %get3A_240 = vector.shape_cast %get3A_239 : vector<1x16xf32> to vector<16xf32>
      %add3A_241 = arith.addf %get3A_240, %scan3A_40#7 : vector<16xf32>
      %mul3A_242 = arith.constant 5.699880e-03 : f32
      %mul3A_243 = vector.broadcast %mul3A_242 : f32 to vector<16xf32>
      %mul3A_244 = arith.mulf %add3A_241, %mul3A_243 : vector<16xf32>
      %add3A_245 = arith.constant 0 : i32
      %add3A_246 = arith.addi %add3A_117, %add3A_245 : i32
      %swap3A_247 = arith.index_cast %add3A_246 : i32 to index
      %swap3A_248 = arith.constant 112 : index
      %swap3A_249 = tpu.vector_load %arg7[%swap3A_247, %swap3A_248] {strides = array<i32>} : memref<128x128xf32, #tpu.memory_space<vmem>>, vector<1x16xf32>,
      %swap3A_250 = vector.shape_cast %swap3A_249 : vector<1x16xf32> to vector<16xf32>
      %swap3A_251 = vector.shape_cast %mul3A_244 : vector<16xf32> to vector<1x16xf32>
      tpu.vector_store %arg7[%swap3A_247, %swap3A_248], %swap3A_251 {strides = array<i32>} : memref<128x128xf32, #tpu.memory_space<vmem>>, vector<1x16xf32>,
      %add3A_252 = arith.constant 1 : i32
      %add3A_253 = arith.addi %add3A_117, %add3A_252 : i32
      %get3A_254 = arith.index_cast %add3A_253 : i32 to index
      %get3A_255 = arith.constant 0 : index
      %get3A_256 = tpu.vector_load %arg7[%get3A_254, %get3A_255] {strides = array<i32>} : memref<128x128xf32, #tpu.memory_space<vmem>>, vector<1x16xf32>,
      %get3A_257 = vector.shape_cast %get3A_256 : vector<1x16xf32> to vector<16xf32>
      %add3A_258 = arith.addf %get3A_257, %scan3A_40#0 : vector<16xf32>
      %mul3A_259 = arith.constant 5.699880e-03 : f32
      %mul3A_260 = vector.broadcast %mul3A_259 : f32 to vector<16xf32>
      %mul3A_261 = arith.mulf %add3A_258, %mul3A_260 : vector<16xf32>
      %add3A_262 = arith.constant 1 : i32
      %add3A_263 = arith.addi %add3A_117, %add3A_262 : i32
      %swap3A_264 = arith.index_cast %add3A_263 : i32 to index
      %swap3A_265 = arith.constant 0 : index
      %swap3A_266 = tpu.vector_load %arg7[%swap3A_264, %swap3A_265] {strides = array<i32>} : memref<128x128xf32, #tpu.memory_space<vmem>>, vector<1x16xf32>,
      %swap3A_267 = vector.shape_cast %swap3A_266 : vector<1x16xf32> to vector<16xf32>
      %swap3A_268 = vector.shape_cast %mul3A_261 : vector<16xf32> to vector<1x16xf32>
      tpu.vector_store %arg7[%swap3A_264, %swap3A_265], %swap3A_268 {strides = array<i32>} : memref<128x128xf32, #tpu.memory_space<vmem>>, vector<1x16xf32>,
      %add3A_269 = arith.constant 1 : i32
      %add3A_270 = arith.addi %add3A_117, %add3A_269 : i32
      %get3A_271 = arith.index_cast %add3A_270 : i32 to index
      %get3A_272 = arith.constant 16 : index
      %get3A_273 = tpu.vector_load %arg7[%get3A_271, %get3A_272] {strides = array<i32>} : memref<128x128xf32, #tpu.memory_space<vmem>>, vector<1x16xf32>,
      %get3A_274 = vector.shape_cast %get3A_273 : vector<1x16xf32> to vector<16xf32>
      %add3A_275 = arith.addf %get3A_274, %scan3A_40#1 : vector<16xf32>
      %mul3A_276 = arith.constant 5.699880e-03 : f32
      %mul3A_277 = vector.broadcast %mul3A_276 : f32 to vector<16xf32>
      %mul3A_278 = arith.mulf %add3A_275, %mul3A_277 : vector<16xf32>
      %add3A_279 = arith.constant 1 : i32
      %add3A_280 = arith.addi %add3A_117, %add3A_279 : i32
      %swap3A_281 = arith.index_cast %add3A_280 : i32 to index
      %swap3A_282 = arith.constant 16 : index
      %swap3A_283 = tpu.vector_load %arg7[%swap3A_281, %swap3A_282] {strides = array<i32>} : memref<128x128xf32, #tpu.memory_space<vmem>>, vector<1x16xf32>,
      %swap3A_284 = vector.shape_cast %swap3A_283 : vector<1x16xf32> to vector<16xf32>
      %swap3A_285 = vector.shape_cast %mul3A_278 : vector<16xf32> to vector<1x16xf32>
      tpu.vector_store %arg7[%swap3A_281, %swap3A_282], %swap3A_285 {strides = array<i32>} : memref<128x128xf32, #tpu.memory_space<vmem>>, vector<1x16xf32>,
      %add3A_286 = arith.constant 1 : i32
      %add3A_287 = arith.addi %add3A_117, %add3A_286 : i32
      %get3A_288 = arith.index_cast %add3A_287 : i32 to index
      %get3A_289 = arith.constant 32 : index
      %get3A_290 = tpu.vector_load %arg7[%get3A_288, %get3A_289] {strides = array<i32>} : memref<128x128xf32, #tpu.memory_space<vmem>>, vector<1x16xf32>,
      %get3A_291 = vector.shape_cast %get3A_290 : vector<1x16xf32> to vector<16xf32>
      %add3A_292 = arith.addf %get3A_291, %scan3A_40#2 : vector<16xf32>
      %mul3A_293 = arith.constant 5.699880e-03 : f32
      %mul3A_294 = vector.broadcast %mul3A_293 : f32 to vector<16xf32>
      %mul3A_295 = arith.mulf %add3A_292, %mul3A_294 : vector<16xf32>
      %add3A_296 = arith.constant 1 : i32
      %add3A_297 = arith.addi %add3A_117, %add3A_296 : i32
      %swap3A_298 = arith.index_cast %add3A_297 : i32 to index
      %swap3A_299 = arith.constant 32 : index
      %swap3A_300 = tpu.vector_load %arg7[%swap3A_298, %swap3A_299] {strides = array<i32>} : memref<128x128xf32, #tpu.memory_space<vmem>>, vector<1x16xf32>,
      %swap3A_301 = vector.shape_cast %swap3A_300 : vector<1x16xf32> to vector<16xf32>
      %swap3A_302 = vector.shape_cast %mul3A_295 : vector<16xf32> to vector<1x16xf32>
      tpu.vector_store %arg7[%swap3A_298, %swap3A_299], %swap3A_302 {strides = array<i32>} : memref<128x128xf32, #tpu.memory_space<vmem>>, vector<1x16xf32>,
      %add3A_303 = arith.constant 1 : i32
      %add3A_304 = arith.addi %add3A_117, %add3A_303 : i32
      %get3A_305 = arith.index_cast %add3A_304 : i32 to index
      %get3A_306 = arith.constant 48 : index
      %get3A_307 = tpu.vector_load %arg7[%get3A_305, %get3A_306] {strides = array<i32>} : memref<128x128xf32, #tpu.memory_space<vmem>>, vector<1x16xf32>,
      %get3A_308 = vector.shape_cast %get3A_307 : vector<1x16xf32> to vector<16xf32>
      %add3A_309 = arith.addf %get3A_308, %scan3A_40#3 : vector<16xf32>
      %mul3A_310 = arith.constant 5.699880e-03 : f32
      %mul3A_311 = vector.broadcast %mul3A_310 : f32 to vector<16xf32>
      %mul3A_312 = arith.mulf %add3A_309, %mul3A_311 : vector<16xf32>
      %add3A_313 = arith.constant 1 : i32
      %add3A_314 = arith.addi %add3A_117, %add3A_313 : i32
      %swap3A_315 = arith.index_cast %add3A_314 : i32 to index
      %swap3A_316 = arith.constant 48 : index
      %swap3A_317 = tpu.vector_load %arg7[%swap3A_315, %swap3A_316] {strides = array<i32>} : memref<128x128xf32, #tpu.memory_space<vmem>>, vector<1x16xf32>,
      %swap3A_318 = vector.shape_cast %swap3A_317 : vector<1x16xf32> to vector<16xf32>
      %swap3A_319 = vector.shape_cast %mul3A_312 : vector<16xf32> to vector<1x16xf32>
      tpu.vector_store %arg7[%swap3A_315, %swap3A_316], %swap3A_319 {strides = array<i32>} : memref<128x128xf32, #tpu.memory_space<vmem>>, vector<1x16xf32>,
      %add3A_320 = arith.constant 1 : i32
      %add3A_321 = arith.addi %add3A_117, %add3A_320 : i32
      %get3A_322 = arith.index_cast %add3A_321 : i32 to index
      %get3A_323 = arith.constant 64 : index
      %get3A_324 = tpu.vector_load %arg7[%get3A_322, %get3A_323] {strides = array<i32>} : memref<128x128xf32, #tpu.memory_space<vmem>>, vector<1x16xf32>,
      %get3A_325 = vector.shape_cast %get3A_324 : vector<1x16xf32> to vector<16xf32>
      %add3A_326 = arith.addf %get3A_325, %scan3A_40#4 : vector<16xf32>
      %mul3A_327 = arith.constant 5.699880e-03 : f32
      %mul3A_328 = vector.broadcast %mul3A_327 : f32 to vector<16xf32>
      %mul3A_329 = arith.mulf %add3A_326, %mul3A_328 : vector<16xf32>
      %add3A_330 = arith.constant 1 : i32
      %add3A_331 = arith.addi %add3A_117, %add3A_330 : i32
      %swap3A_332 = arith.index_cast %add3A_331 : i32 to index
      %swap3A_333 = arith.constant 64 : index
      %swap3A_334 = tpu.vector_load %arg7[%swap3A_332, %swap3A_333] {strides = array<i32>} : memref<128x128xf32, #tpu.memory_space<vmem>>, vector<1x16xf32>,
      %swap3A_335 = vector.shape_cast %swap3A_334 : vector<1x16xf32> to vector<16xf32>
      %swap3A_336 = vector.shape_cast %mul3A_329 : vector<16xf32> to vector<1x16xf32>
      tpu.vector_store %arg7[%swap3A_332, %swap3A_333], %swap3A_336 {strides = array<i32>} : memref<128x128xf32, #tpu.memory_space<vmem>>, vector<1x16xf32>,
      %add3A_337 = arith.constant 1 : i32
      %add3A_338 = arith.addi %add3A_117, %add3A_337 : i32
      %get3A_339 = arith.index_cast %add3A_338 : i32 to index
      %get3A_340 = arith.constant 80 : index
      %get3A_341 = tpu.vector_load %arg7[%get3A_339, %get3A_340] {strides = array<i32>} : memref<128x128xf32, #tpu.memory_space<vmem>>, vector<1x16xf32>,
      %get3A_342 = vector.shape_cast %get3A_341 : vector<1x16xf32> to vector<16xf32>
      %add3A_343 = arith.addf %get3A_342, %scan3A_40#5 : vector<16xf32>
      %mul3A_344 = arith.constant 5.699880e-03 : f32
      %mul3A_345 = vector.broadcast %mul3A_344 : f32 to vector<16xf32>
      %mul3A_346 = arith.mulf %add3A_343, %mul3A_345 : vector<16xf32>
      %add3A_347 = arith.constant 1 : i32
      %add3A_348 = arith.addi %add3A_117, %add3A_347 : i32
      %swap3A_349 = arith.index_cast %add3A_348 : i32 to index
      %swap3A_350 = arith.constant 80 : index
      %swap3A_351 = tpu.vector_load %arg7[%swap3A_349, %swap3A_350] {strides = array<i32>} : memref<128x128xf32, #tpu.memory_space<vmem>>, vector<1x16xf32>,
      %swap3A_352 = vector.shape_cast %swap3A_351 : vector<1x16xf32> to vector<16xf32>
      %swap3A_353 = vector.shape_cast %mul3A_346 : vector<16xf32> to vector<1x16xf32>
      tpu.vector_store %arg7[%swap3A_349, %swap3A_350], %swap3A_353 {strides = array<i32>} : memref<128x128xf32, #tpu.memory_space<vmem>>, vector<1x16xf32>,
      %add3A_354 = arith.constant 1 : i32
      %add3A_355 = arith.addi %add3A_117, %add3A_354 : i32
      %get3A_356 = arith.index_cast %add3A_355 : i32 to index
      %get3A_357 = arith.constant 96 : index
      %get3A_358 = tpu.vector_load %arg7[%get3A_356, %get3A_357] {strides = array<i32>} : memref<128x128xf32, #tpu.memory_space<vmem>>, vector<1x16xf32>,
      %get3A_359 = vector.shape_cast %get3A_358 : vector<1x16xf32> to vector<16xf32>
      %add3A_360 = arith.addf %get3A_359, %scan3A_40#6 : vector<16xf32>
      %mul3A_361 = arith.constant 5.699880e-03 : f32
      %mul3A_362 = vector.broadcast %mul3A_361 : f32 to vector<16xf32>
      %mul3A_363 = arith.mulf %add3A_360, %mul3A_362 : vector<16xf32>
      %add3A_364 = arith.constant 1 : i32
      %add3A_365 = arith.addi %add3A_117, %add3A_364 : i32
      %swap3A_366 = arith.index_cast %add3A_365 : i32 to index
      %swap3A_367 = arith.constant 96 : index
      %swap3A_368 = tpu.vector_load %arg7[%swap3A_366, %swap3A_367] {strides = array<i32>} : memref<128x128xf32, #tpu.memory_space<vmem>>, vector<1x16xf32>,
      %swap3A_369 = vector.shape_cast %swap3A_368 : vector<1x16xf32> to vector<16xf32>
      %swap3A_370 = vector.shape_cast %mul3A_363 : vector<16xf32> to vector<1x16xf32>
      tpu.vector_store %arg7[%swap3A_366, %swap3A_367], %swap3A_370 {strides = array<i32>} : memref<128x128xf32, #tpu.memory_space<vmem>>, vector<1x16xf32>,
      %add3A_371 = arith.constant 1 : i32
      %add3A_372 = arith.addi %add3A_117, %add3A_371 : i32
      %get3A_373 = arith.index_cast %add3A_372 : i32 to index
      %get3A_374 = arith.constant 112 : index
      %get3A_375 = tpu.vector_load %arg7[%get3A_373, %get3A_374] {strides = array<i32>} : memref<128x128xf32, #tpu.memory_space<vmem>>, vector<1x16xf32>,
      %get3A_376 = vector.shape_cast %get3A_375 : vector<1x16xf32> to vector<16xf32>
      %add3A_377 = arith.addf %get3A_376, %scan3A_40#7 : vector<16xf32>
      %mul3A_378 = arith.constant 5.699880e-03 : f32
      %mul3A_379 = vector.broadcast %mul3A_378 : f32 to vector<16xf32>
      %mul3A_380 = arith.mulf %add3A_377, %mul3A_379 : vector<16xf32>
      %add3A_381 = arith.constant 1 : i32
      %add3A_382 = arith.addi %add3A_117, %add3A_381 : i32
      %swap3A_383 = arith.index_cast %add3A_382 : i32 to index
      %swap3A_384 = arith.constant 112 : index
      %swap3A_385 = tpu.vector_load %arg7[%swap3A_383, %swap3A_384] {strides = array<i32>} : memref<128x128xf32, #tpu.memory_space<vmem>>, vector<1x16xf32>,
      %swap3A_386 = vector.shape_cast %swap3A_385 : vector<1x16xf32> to vector<16xf32>
      %swap3A_387 = vector.shape_cast %mul3A_380 : vector<16xf32> to vector<1x16xf32>
      tpu.vector_store %arg7[%swap3A_383, %swap3A_384], %swap3A_387 {strides = array<i32>} : memref<128x128xf32, #tpu.memory_space<vmem>>, vector<1x16xf32>,
    }
    %scan3A_100 = arith.constant 32 : i32
    %add3A_101 = arith.constant 64 : i32
    %add3A_102 = arith.addi %mul3A_2, %add3A_101 : i32
    "tpu.region"() ({
      %run_scoped3A = tpu.sem_alloc : memref<!tpu.dma_semaphore, #tpu.memory_space<semaphore_mem>>
      %dma_start3A_113 = arith.constant 64 : i32
      %dma_start3A_114 = arith.constant 0 : i32
      %dma_start3A_115 = tpu.memref_slice %arg7[%dma_start3A_113, %dma_start3A_114] : memref<128x128xf32, #tpu.memory_space<vmem>> -> memref<64x128xf32, #tpu.memory_space<vmem>>
      %dma_start3A_116 = arith.constant 0 : i32
      %dma_start3A_117 = tpu.memref_slice %arg5[%add3A_102, %dma_start3A_116] : memref<4096x128xf32, #tpu.memory_space<hbm>> -> memref<64x128xf32, #tpu.memory_space<hbm>>
      %dma_start3A_118 = arith.constant 0 : i32
      %dma_start3A_119 = tpu.memref_slice %arg5[%add3A_102, %dma_start3A_118] : memref<4096x128xf32, #tpu.memory_space<hbm>> -> memref<64x128xf32, #tpu.memory_space<hbm>>
      %dma_start3A_120 = arith.constant 64 : i32
      %dma_start3A_121 = arith.constant 0 : i32
      %dma_start3A_122 = tpu.memref_slice %arg7[%dma_start3A_120, %dma_start3A_121] : memref<128x128xf32, #tpu.memory_space<vmem>> -> memref<64x128xf32, #tpu.memory_space<vmem>>
      tpu.enqueue_dma source(%dma_start3A_122 : memref<64x128xf32, #tpu.memory_space<vmem>>) target(%dma_start3A_119 : memref<64x128xf32, #tpu.memory_space<hbm>>) target_semaphore(%run_scoped3A : memref<!tpu.dma_semaphore, #tpu.memory_space<semaphore_mem>>)
      %dma_wait3A_123 = arith.constant 64 : i32
      %dma_wait3A_124 = arith.constant 0 : i32
      %dma_wait3A_125 = tpu.memref_slice %arg7[%dma_wait3A_123, %dma_wait3A_124] : memref<128x128xf32, #tpu.memory_space<vmem>> -> memref<64x128xf32, #tpu.memory_space<vmem>>
      %dma_wait3A_126 = arith.constant 0 : i32
      %dma_wait3A_127 = tpu.memref_slice %arg5[%add3A_102, %dma_wait3A_126] : memref<4096x128xf32, #tpu.memory_space<hbm>> -> memref<64x128xf32, #tpu.memory_space<hbm>>
      %dma_wait3A_128 = arith.constant 0 : i32
      %dma_wait3A_129 = tpu.memref_slice %arg5[%add3A_102, %dma_wait3A_128] : memref<4096x128xf32, #tpu.memory_space<hbm>> -> memref<64x128xf32, #tpu.memory_space<hbm>>
      %dma_wait3A_130 = arith.constant 64 : i32
      %dma_wait3A_131 = arith.constant 0 : i32
      %dma_wait3A_132 = tpu.memref_slice %arg7[%dma_wait3A_130, %dma_wait3A_131] : memref<128x128xf32, #tpu.memory_space<vmem>> -> memref<64x128xf32, #tpu.memory_space<vmem>>
      tpu.wait_dma2 semaphore(%run_scoped3A : memref<!tpu.dma_semaphore, #tpu.memory_space<semaphore_mem>>) src(%dma_wait3A_132 : memref<64x128xf32, #tpu.memory_space<vmem>>) dst(%dma_wait3A_129 : memref<64x128xf32, #tpu.memory_space<hbm>>)
      tpu.yield
    }) : () -> ()
    %dma_wait3A_103 = arith.constant 0 : i32
    %dma_wait3A_104 = arith.constant 0 : i32
    %dma_wait3A_105 = tpu.memref_slice %arg7[%dma_wait3A_103, %dma_wait3A_104] : memref<128x128xf32, #tpu.memory_space<vmem>> -> memref<64x128xf32, #tpu.memory_space<vmem>>
    %dma_wait3A_106 = arith.constant 0 : i32
    %dma_wait3A_107 = tpu.memref_slice %arg5[%mul3A_2, %dma_wait3A_106] : memref<4096x128xf32, #tpu.memory_space<hbm>> -> memref<64x128xf32, #tpu.memory_space<hbm>>
    %dma_wait3A_108 = arith.constant 0 : i32
    %dma_wait3A_109 = tpu.memref_slice %arg5[%mul3A_2, %dma_wait3A_108] : memref<4096x128xf32, #tpu.memory_space<hbm>> -> memref<64x128xf32, #tpu.memory_space<hbm>>
    %dma_wait3A_110 = arith.constant 0 : i32
    %dma_wait3A_111 = arith.constant 0 : i32
    %dma_wait3A_112 = tpu.memref_slice %arg7[%dma_wait3A_110, %dma_wait3A_111] : memref<128x128xf32, #tpu.memory_space<vmem>> -> memref<64x128xf32, #tpu.memory_space<vmem>>
    tpu.wait_dma2 semaphore(%arg11 : memref<!tpu.dma_semaphore, #tpu.memory_space<semaphore_mem>>) src(%dma_wait3A_112 : memref<64x128xf32, #tpu.memory_space<vmem>>) dst(%dma_wait3A_109 : memref<64x128xf32, #tpu.memory_space<hbm>>)
    return
  }
}

</mosaic_0001>

<sc_bundles>
// kernel: kernel.3.cloned.1.call-start
scs
__scs_entry_jumppad:
0x0: {  	(pc) =	sbr.rel $0x88, $3  }
0x1: {  	(tag) =	ssettag $0x0;
	lr =	simm.s32 $0x1  }
0x2: {  	[smem:$0x3F9E] =	sst lr;
	_ =	strace $0xD0000000  }
0x3: {  	_ = 	snop  }
0x4: {  	_ = 	snop  }
0x5: {  	_ = 	snop  }
0x6: {  	_ = 	snop  }
0x7: {  	_ = 	snop  }
__scs_overlays_trampoline_lowered:
0x8: {  	[smem:$0x3FAD] =	sst s0  }
0x9: {  	[smem:$0x3FAE] =	sst s1  }
0xa: {  	[smem:$0x3FAF] =	sst s2  }
0xb: {  	[smem:$0x3FB0] =	sst s3  }
0xc: {  	[smem:$0x3FB1] =	sst s4  }
0xd: {  	[smem:$0x3FB2] =	sst s5  }
0xe: {  	[smem:$0x3FB3] =	sst s6  }
0xf: {  	[smem:$0x3FB4] =	sst s7  }
0x10: {  	[smem:$0x3FB5] =	sst s8  }
0x11: {  	[smem:$0x3FB6] =	sst s9;
	s0 =	simm.s32 @!p0 $0x0  }
0x12: {  	s1 =	sld [smem:$0x3F9C];
	s0 =	simm.s32 @p0 $0x1  }
0x13: {  	[smem:$0x3FB7] =	sst s0;
	s0 =	simm.s32 @!p1 $0x0  }
0x14: {  	s2 =	sld [smem:$0x3F9B];
	s0 =	simm.s32 @p1 $0x1  }
0x15: {  	[smem:$0x3FB8] =	sst s0;
	s0 =	simm.s32 @!p2 $0x0  }
0x16: {  	s3 =	sld [smem:$0x3FDB];
	s0 =	simm.s32 @p2 $0x1  }
0x17: {  	s4 =	simm.s32 $0x1BF5;
	[smem:$0x3FBA] =	sst s0  }
0x18: {  	s0 =	sld [smem:$0x3F9D];
	_ =	swait.ge [sflag:s4], $0x0  }
0x19: {  	s7 =	sld [smem:$0x3F9E]  }
0x1a: {  	s8 =	sadd.s32 $0xFFFFE003, lr  }
0x1b: {  	s9 =	sadd.s32 $0xFFFFFEF7, lr;
	s5 =	simm.s32 $0xFFFFFFFF;
	p2 =	slt.u32 s8, $0xFFFFF086  }
0x1c: {  	p1 =	slt.u32 s9, $0xF7A;
	s5 =	simm.s32 @!p2 $0x0  }
0x1d: {  	s5 =	simm.s32 @p1 $0x1;
	p0 =	seq.s32 s7, s2  }
0x1e: {  	s7 =	smul.u32 @!p0 $0xF7A, s2;
	p2 =	seq.s32 @!p0 s5, $0x0  }
0x1f: {  	s9 =	smul.u32 $0xF7A, s1;
	s8 =	simm.s32 @!p0 $0x1BF5;
	p2 =	por !p2, p0  }
0x20: {  	[sflag:s8] =	ssyncset.s32 @!p0 $0xFFFFF086;
	s6 =	sadd.s32 @!p0 s3, s7;
	s7 =	simm.s32 @!p0 $0x108  }
0x21: {  	s3 =	sadd.s32 s3, s9;
	s6 =	sadd.s32 @!p0 $0x88, s6;
	s7 =	simm.s32 @p2 $0x1082  }
0x22: {  	[simem:s7], [sflag:s8] =	dma.local @!p0 [hbm:s6], $0xF7A  }
0x23: {  	s9 =	sor.u32 $0xD0000000, s2;
	s6 =	simm.s32 $0x108;
	_ =	swait.ge @!p0 [sflag:s8], $0x0  }
0x24: {  	s3 =	sadd.s32 $0x88, s3;
	s6 =	simm.s32 @!p1 $0x1082;
	[sflag:s4] =	ssyncset.s32 $0xFFFFF086  }
0x25: {  	[simem:s6], [sflag:s4] =	dma.local [hbm:s3], $0xF7A  }
0x26: {  	[smem:$0x3F9E] =	sst s1;
	(tag) =	ssettag s2;
	_ =	strace s9  }
0x27: {  	s1 =	sld [smem:$0x3FAE]  }
0x28: {  	s2 =	sld [smem:$0x3FAF]  }
0x29: {  	s4 =	sld [smem:$0x3FB1]  }
0x2a: {  	p0 =	seq.s32 s5, $0x0;
	s5 =	sld [smem:$0x3FB2]  }
0x2b: {  	s6 =	sld [smem:$0x3FB3]  }
0x2c: {  	s7 =	sld [smem:$0x3FB4]  }
0x2d: {  	s3 =	simm.s32 $0x108;
	s8 =	sld [smem:$0x3FB5]  }
0x2e: {  	s3 =	simm.s32 @!p0 $0x1082;
	s9 =	sld [smem:$0x3FB6]  }
0x2f: {  	lr =	sadd.s32 s0, s3;
	s0 =	sld [smem:$0x3FAD]  }
0x30: {  	s3 =	sld [smem:$0x3FB0]  }
0x31: {  	[smem:$0x3FB9] =	sst s10  }
0x32: {  	s10 =	sld [smem:$0x3FB7];
	_ =	sdelay $0x3  }
0x33: {  	p0 =	seq.s32 s10, $0x1;
	s10 =	sld [smem:$0x3FB9];
	_ =	sdelay $0x3  }
0x34: {  	[smem:$0x3FB9] =	sst s10  }
0x35: {  	s10 =	sld [smem:$0x3FB8];
	_ =	sdelay $0x3  }
0x36: {  	p1 =	seq.s32 s10, $0x1;
	s10 =	sld [smem:$0x3FB9];
	_ =	sdelay $0x3  }
0x37: {  	[smem:$0x3FB9] =	sst s10  }
0x38: {  	s10 =	sld [smem:$0x3FBA]  }
0x39: {  	_ = 	snop;
	(pc) =	sbr.ind lr, $3  }
0x3a: {  	_ = 	snop  }
0x3b: {  	_ = 	snop  }
0x3c: {  	p2 =	seq.s32 s10, $0x1;
	s10 =	sld [smem:$0x3FB9]  }
0x3d: {  	_ =	shalt  }
0x3e: {  	_ =	shalt  }
0x3f: {  	_ =	shalt  }
0x40: {  	_ =	shalt  }
0x41: {  	_ =	shalt  }
0x42: {  	_ =	shalt  }
0x43: {  	_ =	shalt  }
0x44: {  	_ =	shalt  }
0x45: {  	_ =	shalt  }
0x46: {  	_ =	shalt  }
0x47: {  	_ =	shalt  }
0x48: {  	_ =	shalt  }
0x49: {  	_ =	shalt  }
0x4a: {  	_ =	shalt  }
0x4b: {  	_ =	shalt  }
0x4c: {  	_ =	shalt  }
0x4d: {  	_ =	shalt  }
0x4e: {  	_ =	shalt  }
0x4f: {  	_ =	shalt  }
0x50: {  	_ =	shalt  }
0x51: {  	_ =	shalt  }
0x52: {  	_ =	shalt  }
0x53: {  	_ =	shalt  }
0x54: {  	_ =	shalt  }
0x55: {  	_ =	shalt  }
0x56: {  	_ =	shalt  }
0x57: {  	_ =	shalt  }
0x58: {  	_ =	shalt  }
0x59: {  	_ =	shalt  }
0x5a: {  	_ =	shalt  }
0x5b: {  	_ =	shalt  }
0x5c: {  	_ =	shalt  }
0x5d: {  	_ =	shalt  }
0x5e: {  	_ =	shalt  }
0x5f: {  	_ =	shalt  }
0x60: {  	_ =	shalt  }
0x61: {  	_ =	shalt  }
0x62: {  	_ =	shalt  }
0x63: {  	_ =	shalt  }
0x64: {  	_ =	shalt  }
0x65: {  	_ =	shalt  }
0x66: {  	_ =	shalt  }
0x67: {  	_ =	shalt  }
0x68: {  	_ =	shalt  }
0x69: {  	_ =	shalt  }
0x6a: {  	_ =	shalt  }
0x6b: {  	_ =	shalt  }
0x6c: {  	_ =	shalt  }
0x6d: {  	_ =	shalt  }
0x6e: {  	_ =	shalt  }
0x6f: {  	_ =	shalt  }
0x70: {  	_ =	shalt  }
0x71: {  	_ =	shalt  }
0x72: {  	_ =	shalt  }
0x73: {  	_ =	shalt  }
0x74: {  	_ =	shalt  }
0x75: {  	_ =	shalt  }
0x76: {  	_ =	shalt  }
0x77: {  	_ =	shalt  }
0x78: {  	_ =	shalt  }
0x79: {  	_ =	shalt  }
0x7a: {  	_ =	shalt  }
0x7b: {  	_ =	shalt  }
0x7c: {  	_ =	shalt  }
0x7d: {  	_ =	shalt  }
0x7e: {  	_ =	shalt  }
0x7f: {  	_ =	shalt  }
0x80: {  	_ =	shalt  }
0x81: {  	_ =	shalt  }
0x82: {  	_ =	shalt  }
0x83: {  	_ =	shalt  }
0x84: {  	_ =	shalt  }
0x85: {  	_ =	shalt  }
0x86: {  	_ =	shalt  }
0x87: {  	_ =	shalt  }
.Lfunc_end0:
.L_simem_size_0:
called_computation_lowered:
.L_overlay_start_0:
0x88: {  	s2 =	sld [smem:$0x3FD9]  }
0x89: {  	s3 =	sld [smem:$0x3FFE];
	_ =	sdelay $0x1  }
0x8a: {  	s1 =	srdreg.scid  }
0x8b: {  	s0 =	sand.u32 $0x1, s1  }
0x8c: {  	s17 =	sshll.u32 s0, $0xA;
	s2 =	sadd.s32 s3, s2  }
0x8d: {  	s2 =	sadd.s32 s2, s17  }
0x8e: {  	[smem:$0x3FC5] =	sst s2  }
0x8f: {  	_ = 	snop  }
0x90: {  	s2 =	sld [smem:$0x3FC8]  }
0x91: {  	s18 =	sld [smem:$0x3FC7]  }
0x92: {  	s4 =	sld [smem:$0x3FD0];
	(tm) =	ssettm $0x1  }
0x93: {  	s5 =	sld [smem:$0x3FFB];
	_ =	sdelay $0x3  }
0x94: {  	_ =	strace s5  }
0x95: {  	s5 =	sld [smem:$0x3FFC];
	_ =	sdelay $0x3  }
0x96: {  	_ =	strace s5  }
0x97: {  	s5 =	sld [smem:$0x3FFD];
	_ =	sdelay $0x3  }
0x98: {  	_ =	strace s5  }
0x99: {  	_ =	strace $0x8FFFFFFF  }
0x9a: {  	s19 =	sld [smem:$0x3FDB];
	_ =	sdelay $0x1  }
0x9b: {  	s6 =	simm.s32 $_scs_section_size  }
0x9c: {  	s7 =	simm.s32 $_size__tile_overlayer_lowered;
	s8 =	simm.s32 $_tile_overlayer_lowered  }
0x9d: {  	s22 =	simm.s32 $0x1BFF;
	s21 =	sshll.u32 s8, $0x1;
	s5 =	sadd.s32 s6, s19  }
0x9e: {  	s9 =	simm.s32 $0x0;
	s20 =	sshll.u32 s7, $0x1;
	s7 =	sadd.s32 s21, s5  }
0x9f: {  	[timem:s9], [sflag:s22] =	dma.local [hbm:s7], s20  }
0xa0: {  	_ =	swait.ge [sflag:s22], s20  }
0xa1: {  	s6 =	ssub.s32 $0x0, s20;
	[sflag:s22] =	ssyncset.done $0x0  }
0xa2: {  	[sflag:s22] =	ssyncadd.s32 s6;
	_ =	sdelay $0x1  }
0xa3: {  	s23 =	simm.s32 $0x1B8B  }
0xa4: {  	_ =	swait.ge [sflag:s23], $0x1  }
0xa5: {  	[sflag:s23] =	ssyncset.done $0x0  }
0xa6: {  	s25 =	simm.s32 $0x1B8E;
	s24 =	sld [smem:$0x3FFE];
	[sflag:s23] =	ssyncadd.s32 $0xFFFFFFFF  }
0xa7: {  	s26 =	simm.s32 $execute0_lowered;
	[smem:$0x3FD2] =	sst s25  }
0xa8: {  	s7 =	sshll.u32 s26, $0x1;
	_ =	strace $0x80000046;
	[dreg:$0x1] =	wrdreg $0xFFFFFFFF  }
0xa9: {  	s28 =	simm.s32 $_size_execute0_lowered;
	s5 =	sadd.s32 s5, s7;
	[dreg:$0x0] =	wrdreg $0x0  }
0xaa: {  	s7 =	sshll.u32 s28, $0x1;
	[dreg:$0x2] =	wrdreg s5  }
0xab: {  	[dreg:$0x3] =	wrdreg s7  }
0xac: {  	[dreg:$0x4] =	wrdreg $0xC0  }
0xad: {  	_ =	task [dreg:s9], $0x5FFFF  }
0xae: {  	[dreg:$0x1] =	wrdreg $0xFFFFFFFF  }
0xaf: {  	[dreg:$0x0] =	wrdreg $0x60  }
0xb0: {  	[dreg:$0x2] =	wrdreg s24  }
0xb1: {  	[dreg:$0x3] =	wrdreg s2  }
0xb2: {  	[dreg:$0x4] =	wrdreg s18  }
0xb3: {  	[dreg:$0x5] =	wrdreg s4  }
0xb4: {  	[dreg:$0x6] =	wrdreg $0x9  }
0xb5: {  	_ =	task.clear_ibuf [dreg:s9], $0x7FFFF;
	_ =	strace $0x90000046  }
0xb6: {  	s29 =	simm.s32 $0x9;
	_ =	strace $0x80000048  }
0xb7: {  	_ =	swait.ge [sflag:s29], $0x1  }
0xb8: {  	[sflag:s29] =	ssyncadd.s32 $0xFFFFFFFF  }
0xb9: {  	_ =	strace $0x90000048  }
0xba: {  	_ =	sfence  }
0xbb: {  	s30 =	sld [smem:$0x0];
	_ =	sdelay $0x2  }
0xbc: {  	s31 =	sshll.u32 s1, $0xD;
	s1 =	sshrl.u32 s1, $0x2  }
0xbd: {  	s3 =	sand.u32 $0x4000, s31;
	s1 =	sadd.s32 s1, s30  }
0xbe: {  	s0 =	sor.u32 s3, s0;
	s1 =	sshll.u32 s1, $0x11  }
0xbf: {  	s0 =	sor.u32 s1, s0  }
0xc0: {  	s0 =	sadd.s32 $0x8F2B, s0  }
0xc1: {  	[sflag:s0] =	ssyncadd.remote.s32 $0x1  }
0xc2: {  	_ =	sfence.sel $0xFFFF  }
0xc3: {  	[dreg:$0x0] =	wrdreg $0xFFFFFFFF;
	(pc) =	sbr.abs _section_cstart, $3  }
0xc4: {  	[dreg:$0x1] =	wrdreg $0xFFFFFFFF  }
0xc5: {  	_ =	task.clear_ibuf [dreg:s9], $0x2FFFF;
	_ =	strace $0x9FFFFFFF  }
0xc6: {  	(tm) =	ssettm $0x7FFFFFFF  }
0xc7: {  	_ =	shalt  }
tec
execute0_lowered:
.L_overlay_start_1:
0x0: {  	(tag) =	ssettag $0x1  }
0x1: {  	s5 =	rddreg [dreg:$0x0]  }
0x2: {  	s1 =	rddreg [dreg:$0x1]  }
0x3: {  	s2 =	rddreg [dreg:$0x2]  }
0x4: {  	s6 =	rddreg [dreg:$0x3]  }
0x5: {  	s0 =	rddreg [dreg:$0x4]  }
0x6: {  	s4 =	simm.s32 $0x0;
	s7 =	srdreg.scid;
	s3 =	stileid.u32  }
0x7: {  	s11 =	simm.s32 $0x40;
	s12 =	simm.s32 $0x2000;
	s13 =	simm.s32 $0x4000  }
0x8: {  	s14 =	simm.s32 $0x3;
	s15 =	simm.s32 $0x1;
	s16 =	simm.s32 $0x2  }
0x9: {  	[smem:$0x7FF] =	sst s4;
	s7 =	sand.u32 $0x1, s7;
	s8 =	sshll.u32 s3, $0x1  }
0xa: {  	s17 =	simm.s32 $0x0;
	_ =	strace $0x80000047;
	s8 =	sor.u32 s7, s8  }
0xb: {  	s7 =	ssub.s32 $0x2, s7;
	s9 =	sshll.u32 s8, $0xA;
	s8 =	sshll.u32 s8, $0xB  }
0xc: {  	s10 =	sshrl.u32 s7, $0x1;
	s9 =	sadd.s32 s9, s5;
	s5 =	sadd.s32 s6, s8  }
0xd: {  	s10 =	ssub.s32 s7, s10;
	s6 =	sadd.s32 $0x400, s9;
	s7 =	sadd.s32 $0x400, s5  }
0xe: {  	s8 =	smax.u32 s10, $0x1;
	s9 =	simm.s32 $0x6000;
	s10 =	simm.s32 $0x4  }
.LBB2_1:
0xf: {  	[tilespmem:s9], [sflag:$0x3] =	stream.linear.gather [hbm4b:s2+s4], $0x1E00, $0x38;
	[tilespmem:$0x8000] =	vst v63  }
0x10: {  	_ = 	snop  }
0x11: {  	[tilespmem:s4], [sflag:$0x4] =	stream.linear.gather [hbm4b:s6+s4], $0x1E00, $0x38;
	[tilespmem:$0x8000] =	vst v63  }
0x12: {  	_ =	swait.ge [sflag:s10], $0x1E00  }
0x13: {  	[sflag:s10] =	ssyncset.done $0x0  }
0x14: {  	[sflag:s10] =	ssyncadd.s32 $0xFFFFE200  }
0x15: {  	[tilespmem:s12], [sflag:$0x1] =	stream.indirect.gather [hbm4b:s1+s11], $0x80, s4, s11, $0xb8;
	[tilespmem:$0x8000] =	vst v63  }
0x16: {  	_ = 	snop  }
0x17: {  	[tilespmem:s13], [sflag:$0x2] =	stream.indirect.gather [hbm4b:s1+s11], $0x80, s11, s11, $0xb8;
	[tilespmem:$0x8000] =	vst v63  }
0x18: {  	_ =	swait.ge [sflag:s14], $0x1E00  }
0x19: {  	[sflag:s14] =	ssyncset.done $0x0  }
0x1a: {  	s20 =	simm.s32 $0x0;
	[sflag:s14] =	ssyncadd.s32 $0xFFFFE200  }
0x1b: {  	v0 =	vld [tilespmem:s20+$0x6070]  }
0x1c: {  	v1 =	vld [tilespmem:s20+$0x6000]  }
0x1d: {  	v4 =	vld [tilespmem:s20+$0x6010]  }
0x1e: {  	v5 =	vld [tilespmem:s20+$0x6020]  }
0x1f: {  	v6 =	vld [tilespmem:s20+$0x6030]  }
0x20: {  	v3 =	vimm.f32 $0.0e+00;
	v10 =	vimm.f32 $0.0e+00;
	v7 =	vld [tilespmem:s20+$0x6040]  }
0x21: {  	v8 =	vimm.f32 $0.0e+00;
	v9 =	vimm.f32 $0.0e+00;
	v11 =	vld [tilespmem:s20+$0x6050];
	v0 =	vadd.f32 v0, v3  }
0x22: {  	s18 =	simm.s32 $0x80;
	s19 =	simm.s32 $0x400;
	v12 =	vld [tilespmem:s20+$0x6060];
	v2 =	vadd.f32 v1, v3;
	v1 =	vadd.f32 v4, v3;
	v4 =	vimm.f32 $0.0e+00  }
.LBB2_2:
0x23: {  	p0 =	sne.s32 s19, $0x7600;
	v13 =	vld [tilespmem:s18+$0x6070];
	v3 =	vadd.f32 v5, v3  }
0x24: {  	v14 =	vld [tilespmem:s18+$0x6000];
	v4 =	vadd.f32 v6, v4  }
0x25: {  	v15 =	vld [tilespmem:s18+$0x6010];
	v10 =	vadd.f32 v7, v10  }
.Ltmp0:
0x26: {  	v5 =	vld [tilespmem:s18+$0x6020];
	v8 =	vadd.f32 v11, v8;
	(pc) =	sbr.rel @p0 .LBB2_2-.Ltmp0, $4  }
0x27: {  	v6 =	vld [tilespmem:s18+$0x6030];
	v9 =	vadd.f32 v12, v9  }
0x28: {  	v7 =	vld [tilespmem:s18+$0x6040];
	v0 =	vadd.f32 v13, v0  }
0x29: {  	v2 =	vadd.f32 v14, v2;
	v11 =	vld [tilespmem:s18+$0x6050]  }
0x2a: {  	v1 =	vadd.f32 v15, v1;
	v12 =	vld [tilespmem:s18+$0x6060];
	s18 =	sshra.s32 s19, $0x2;
	s19 =	sadd.s32 $0x200, s19  }
0x2b: {  	v13 =	vld [tilespmem:s18+$0x6070]  }
0x2c: {  	v14 =	vld [tilespmem:s18+$0x6000]  }
0x2d: {  	v15 =	vld [tilespmem:s18+$0x6010]  }
0x2e: {  	v16 =	vld [tilespmem:s18+$0x6020]  }
0x2f: {  	v17 =	vld [tilespmem:s18+$0x6030]  }
0x30: {  	v18 =	vld [tilespmem:s18+$0x6040]  }
0x31: {  	v19 =	vld [tilespmem:s18+$0x6050]  }
0x32: {  	v20 =	vld [tilespmem:s18+$0x6060];
	_ =	swait.ge [sflag:s15], $0x2000;
	v3 =	vadd.f32 v5, v3  }
0x33: {  	[sflag:s15] =	ssyncset.done $0x0;
	v4 =	vadd.f32 v6, v4;
	v10 =	vadd.f32 v7, v10  }
0x34: {  	[sflag:s15] =	ssyncadd.s32 $0xFFFFE000;
	v8 =	vadd.f32 v11, v8;
	v9 =	vadd.f32 v12, v9  }
0x35: {  	_ =	swait.ge [sflag:s16], $0x2000;
	v0 =	vadd.f32 v13, v0;
	v5 =	vadd.f32 v14, v2  }
0x36: {  	s31 =	simm.s32 $0x80;
	[sflag:s16] =	ssyncset.done $0x0;
	v7 =	vadd.f32 v15, v1;
	v6 =	vadd.f32 v16, v3  }
0x37: {  	s18 =	simm.s32 $0xFFFF8C00;
	s19 =	simm.s32 $0xC0;
	[sflag:s16] =	ssyncadd.s32 $0xFFFFE000;
	v4 =	vadd.f32 v17, v4;
	v3 =	vadd.f32 v18, v10  }
0x38: {  	v2 =	vadd.f32 v19, v8;
	[tilespmem:s12], [sflag:$0x1] =	stream.indirect.gather.add.f32 [hbm:s1], $0x80, s31, s11, $0xb8;
	v1 =	vadd.f32 v20, v9;
	[tilespmem:$0x8000] =	vst v63  }
.LBB2_4:
0x39: {  	[tilespmem:s13], [sflag:$0x2] =	stream.indirect.gather.add.f32 [hbm:s1], $0x80, s19, s11, $0xb8;
	[tilespmem:$0x8000] =	vst v63  }
0x3a: {  	s19 =	smov.u32 s18;
	p0 =	sne.s32 s18, $0xFFFFFE00  }
.Ltmp1:
0x3b: {  	s18 =	sadd.s32 $0x200, s18;
	(pc) =	sbr.rel @p0 .LBB2_4-.Ltmp1, $4  }
0x3c: {  	s19 =	sshra.s32 s19, $0x2  }
0x3d: {  	s20 =	sadd.s32 $0x1E00, s19  }
0x3e: {  	[tilespmem:s12], [sflag:$0x1] =	stream.indirect.gather.add.f32 [hbm:s1], $0x80, s20, s11, $0xb8;
	[tilespmem:$0x8000] =	vst v63  }
0x3f: {  	s19 =	sadd.s32 $0x1E40, s19  }
0x40: {  	[tilespmem:s13], [sflag:$0x2] =	stream.indirect.gather.add.f32 [hbm:s1], $0x80, s19, s11, $0xb8;
	[tilespmem:$0x8000] =	vst v63  }
0x41: {  	s18 =	simm.s32 $0x3B  }
.LBB2_6:
0x42: {  	p0 =	sne.s32 s18, $0x1  }
.Ltmp2:
0x43: {  	_ = 	snop;
	(pc) =	sbr.rel @p0 .LBB2_6-.Ltmp2, $4  }
0x44: {  	_ = 	snop  }
0x45: {  	_ =	swait.ge [sflag:s15], $0x2000  }
0x46: {  	[sflag:s15] =	ssyncset.done $0x0  }
0x47: {  	s18 =	sadd.s32 $0xFFFFFFFF, s18;
	[sflag:s15] =	ssyncadd.s32 $0xFFFFE000  }
0x48: {  	s18 =	simm.s32 $0x0  }
0x49: {  	v8 =	vld [tilespmem:s18+$0x2000];
	_ =	sdelay $0x2  }
0x4a: {  	v9 =	vld [tilespmem:s18+$0x2010]  }
0x4b: {  	v11 =	vld [tilespmem:s18+$0x2030]  }
0x4c: {  	v10 =	vld [tilespmem:s18+$0x2020];
	v8 =	vadd.f32 v8, v5  }
0x4d: {  	v12 =	vld [tilespmem:s18+$0x2040]  }
0x4e: {  	v13 =	vld [tilespmem:s18+$0x2050];
	v8 =	vmul.f32 $5.699879960e-03, v8  }
0x4f: {  	v14 =	vld [tilespmem:s18+$0x2060];
	v9 =	vadd.f32 v9, v7  }
0x50: {  	v15 =	vld [tilespmem:s18+$0x2070];
	[tilespmem:s18+$0x2000] =	vst v8;
	v8 =	vadd.f32 v11, v4  }
0x51: {  	v16 =	vld [tilespmem:s18+$0x2080];
	v10 =	vadd.f32 v10, v6;
	v9 =	vmul.f32 $5.699879960e-03, v9  }
0x52: {  	v17 =	vld [tilespmem:s18+$0x2090];
	v11 =	vadd.f32 v12, v3;
	v12 =	vmul.f32 $5.699879960e-03, v8  }
0x53: {  	v13 =	vadd.f32 v13, v2;
	v10 =	vmul.f32 $5.699879960e-03, v10;
	[tilespmem:s18+$0x2010] =	vst v9;
	v9 =	vld [tilespmem:s18+$0x20A0]  }
0x54: {  	v8 =	vld [tilespmem:s18+$0x20B0];
	v11 =	vmul.f32 $5.699879960e-03, v11;
	[tilespmem:s18+$0x2030] =	vst v12;
	v12 =	vadd.f32 v14, v1  }
0x55: {  	v13 =	vmul.f32 $5.699879960e-03, v13;
	[tilespmem:s18+$0x2020] =	vst v10;
	v10 =	vld [tilespmem:s18+$0x20C0];
	v14 =	vadd.f32 v15, v0  }
0x56: {  	v16 =	vadd.f32 v16, v5;
	[tilespmem:s18+$0x2040] =	vst v11;
	v11 =	vld [tilespmem:s18+$0x20D0];
	v15 =	vmul.f32 $5.699879960e-03, v12  }
0x57: {  	s19 =	simm.s32 $0x400;
	[tilespmem:s18+$0x2050] =	vst v13;
	v13 =	vmul.f32 $5.699879960e-03, v14;
	v14 =	vadd.f32 v17, v7;
	v12 =	vld [tilespmem:s18+$0x20E0]  }
.LBB2_8:
0x58: {  	s20 =	sshra.s32 s19, $0x2;
	p0 =	sne.s32 s19, $0x7C00;
	[tilespmem:s18+$0x2060] =	vst v15;
	v15 =	vmul.f32 $5.699879960e-03, v16;
	v9 =	vadd.f32 v9, v6;
	v16 =	vld [tilespmem:s18+$0x20F0]  }
0x59: {  	v17 =	vld [tilespmem:s20+$0x2000];
	[tilespmem:s18+$0x2070] =	vst v13;
	v13 =	vmul.f32 $5.699879960e-03, v14;
	v8 =	vadd.f32 v8, v4  }
0x5a: {  	v14 =	vld [tilespmem:s20+$0x2010];
	[tilespmem:s18+$0x2080] =	vst v15;
	v9 =	vmul.f32 $5.699879960e-03, v9;
	v10 =	vadd.f32 v10, v3  }
0x5b: {  	v15 =	vld [tilespmem:s20+$0x2020];
	[tilespmem:s18+$0x2090] =	vst v13;
	v8 =	vmul.f32 $5.699879960e-03, v8;
	v11 =	vadd.f32 v11, v2  }
0x5c: {  	v13 =	vld [tilespmem:s20+$0x2030];
	[tilespmem:s18+$0x20A0] =	vst v9;
	v9 =	vmul.f32 $5.699879960e-03, v10;
	v10 =	vadd.f32 v12, v1  }
0x5d: {  	v12 =	vld [tilespmem:s20+$0x2040];
	[tilespmem:s18+$0x20B0] =	vst v8;
	v8 =	vmul.f32 $5.699879960e-03, v11;
	v11 =	vadd.f32 v16, v0  }
0x5e: {  	v16 =	vadd.f32 v17, v5;
	v17 =	vld [tilespmem:s20+$0x2050];
	[tilespmem:s18+$0x20C0] =	vst v9;
	v9 =	vmul.f32 $5.699879960e-03, v10  }
0x5f: {  	v10 =	vadd.f32 v14, v7;
	v14 =	vld [tilespmem:s20+$0x2060];
	[tilespmem:s18+$0x20D0] =	vst v8;
	v8 =	vmul.f32 $5.699879960e-03, v11  }
0x60: {  	v11 =	vmul.f32 $5.699879960e-03, v16;
	v15 =	vadd.f32 v15, v6;
	v16 =	vld [tilespmem:s20+$0x2070];
	[tilespmem:s18+$0x20E0] =	vst v9  }
0x61: {  	v9 =	vmul.f32 $5.699879960e-03, v10;
	v10 =	vadd.f32 v13, v4;
	v13 =	vld [tilespmem:s20+$0x2080];
	[tilespmem:s18+$0x20F0] =	vst v8;
	s18 =	smov.u32 s20  }
0x62: {  	[tilespmem:s18+$0x2000] =	vst v11;
	v8 =	vmul.f32 $5.699879960e-03, v15;
	v11 =	vadd.f32 v12, v3;
	v12 =	vld [tilespmem:s18+$0x2090]  }
.Ltmp3:
0x63: {  	[tilespmem:s18+$0x2010] =	vst v9;
	v10 =	vmul.f32 $5.699879960e-03, v10;
	v15 =	vadd.f32 v17, v2;
	v9 =	vld [tilespmem:s18+$0x20A0];
	(pc) =	sbr.rel @p0 .LBB2_8-.Ltmp3, $4  }
0x64: {  	[tilespmem:s18+$0x2020] =	vst v8;
	v11 =	vmul.f32 $5.699879960e-03, v11;
	v14 =	vadd.f32 v14, v1;
	v8 =	vld [tilespmem:s18+$0x20B0]  }
0x65: {  	[tilespmem:s18+$0x2030] =	vst v10;
	v17 =	vmul.f32 $5.699879960e-03, v15;
	v18 =	vadd.f32 v16, v0;
	v10 =	vld [tilespmem:s18+$0x20C0]  }
0x66: {  	[tilespmem:s18+$0x2040] =	vst v11;
	v15 =	vmul.f32 $5.699879960e-03, v14;
	v16 =	vadd.f32 v13, v5;
	v11 =	vld [tilespmem:s18+$0x20D0]  }
0x67: {  	s19 =	sadd.s32 $0x400, s19;
	[tilespmem:s18+$0x2050] =	vst v17;
	v13 =	vmul.f32 $5.699879960e-03, v18;
	v14 =	vadd.f32 v12, v7;
	v12 =	vld [tilespmem:s18+$0x20E0]  }
0x68: {  	[tilespmem:s18+$0x2060] =	vst v15;
	v57 =	vmul.f32 $5.699879960e-03, v16;
	v9 =	vadd.f32 v9, v6;
	v58 =	vld [tilespmem:s18+$0x20F0]  }
0x69: {  	[tilespmem:s18+$0x2070] =	vst v13;
	v59 =	vmul.f32 $5.699879960e-03, v14;
	v8 =	vadd.f32 v8, v4  }
0x6a: {  	[tilespmem:s18+$0x2080] =	vst v57;
	v9 =	vmul.f32 $5.699879960e-03, v9;
	v10 =	vadd.f32 v10, v3  }
0x6b: {  	[tilespmem:s18+$0x2090] =	vst v59;
	v8 =	vmul.f32 $5.699879960e-03, v8;
	v11 =	vadd.f32 v11, v2  }
0x6c: {  	[tilespmem:s18+$0x20A0] =	vst v9;
	v60 =	vmul.f32 $5.699879960e-03, v10;
	v61 =	vadd.f32 v12, v1  }
0x6d: {  	[tilespmem:s18+$0x20B0] =	vst v8;
	v8 =	vmul.f32 $5.699879960e-03, v11;
	v62 =	vadd.f32 v58, v0  }
0x6e: {  	[tilespmem:s18+$0x20C0] =	vst v60;
	v63 =	vmul.f32 $5.699879960e-03, v61  }
0x6f: {  	[tilespmem:s18+$0x20D0] =	vst v8;
	v8 =	vmul.f32 $5.699879960e-03, v62  }
0x70: {  	[tilespmem:s18+$0x20E0] =	vst v63  }
0x71: {  	[tilespmem:s18+$0x20F0] =	vst v8;
	s18 =	simm.s32 $0x3B  }
0x72: {  	[hbm4b:s5+s4] =	stream.linear.scatter [tilespmem:s12], [sflag:$0x3], $0x2000, $0x38;
	[tilespmem:$0x8000] =	vst v63  }
.LBB2_10:
0x73: {  	p0 =	sne.s32 s18, $0x1  }
.Ltmp4:
0x74: {  	_ = 	snop;
	(pc) =	sbr.rel @p0 .LBB2_10-.Ltmp4, $4  }
0x75: {  	_ = 	snop  }
0x76: {  	_ =	swait.ge [sflag:s16], $0x2000  }
0x77: {  	[sflag:s16] =	ssyncset.done $0x0  }
0x78: {  	s18 =	sadd.s32 $0xFFFFFFFF, s18;
	[sflag:s16] =	ssyncadd.s32 $0xFFFFE000  }
0x79: {  	s18 =	simm.s32 $0x0  }
0x7a: {  	v8 =	vld [tilespmem:s18+$0x4000];
	_ =	sdelay $0x2  }
0x7b: {  	v9 =	vld [tilespmem:s18+$0x4010]  }
0x7c: {  	v11 =	vld [tilespmem:s18+$0x4030]  }
0x7d: {  	v10 =	vld [tilespmem:s18+$0x4020];
	v8 =	vadd.f32 v8, v5  }
0x7e: {  	v12 =	vld [tilespmem:s18+$0x4040]  }
0x7f: {  	v13 =	vld [tilespmem:s18+$0x4050];
	v8 =	vmul.f32 $5.699879960e-03, v8  }
0x80: {  	v14 =	vld [tilespmem:s18+$0x4060];
	v9 =	vadd.f32 v9, v7  }
0x81: {  	v15 =	vld [tilespmem:s18+$0x4070];
	[tilespmem:s18+$0x4000] =	vst v8;
	v8 =	vadd.f32 v11, v4  }
0x82: {  	v16 =	vld [tilespmem:s18+$0x4080];
	v10 =	vadd.f32 v10, v6;
	v9 =	vmul.f32 $5.699879960e-03, v9  }
0x83: {  	v17 =	vld [tilespmem:s18+$0x4090];
	v11 =	vadd.f32 v12, v3;
	v12 =	vmul.f32 $5.699879960e-03, v8  }
0x84: {  	v13 =	vadd.f32 v13, v2;
	v10 =	vmul.f32 $5.699879960e-03, v10;
	[tilespmem:s18+$0x4010] =	vst v9;
	v9 =	vld [tilespmem:s18+$0x40A0]  }
0x85: {  	v8 =	vld [tilespmem:s18+$0x40B0];
	v11 =	vmul.f32 $5.699879960e-03, v11;
	[tilespmem:s18+$0x4030] =	vst v12;
	v12 =	vadd.f32 v14, v1  }
0x86: {  	v13 =	vmul.f32 $5.699879960e-03, v13;
	[tilespmem:s18+$0x4020] =	vst v10;
	v10 =	vld [tilespmem:s18+$0x40C0];
	v14 =	vadd.f32 v15, v0  }
0x87: {  	v16 =	vadd.f32 v16, v5;
	[tilespmem:s18+$0x4040] =	vst v11;
	v11 =	vld [tilespmem:s18+$0x40D0];
	v15 =	vmul.f32 $5.699879960e-03, v12  }
0x88: {  	s19 =	simm.s32 $0x400;
	[tilespmem:s18+$0x4050] =	vst v13;
	v13 =	vmul.f32 $5.699879960e-03, v14;
	v14 =	vadd.f32 v17, v7;
	v12 =	vld [tilespmem:s18+$0x40E0]  }
.LBB2_12:
0x89: {  	s20 =	sshra.s32 s19, $0x2;
	p0 =	sne.s32 s19, $0x7C00;
	[tilespmem:s18+$0x4060] =	vst v15;
	v15 =	vmul.f32 $5.699879960e-03, v16;
	v9 =	vadd.f32 v9, v6;
	v16 =	vld [tilespmem:s18+$0x40F0]  }
0x8a: {  	v17 =	vld [tilespmem:s20+$0x4000];
	[tilespmem:s18+$0x4070] =	vst v13;
	v13 =	vmul.f32 $5.699879960e-03, v14;
	v8 =	vadd.f32 v8, v4  }
0x8b: {  	v14 =	vld [tilespmem:s20+$0x4010];
	[tilespmem:s18+$0x4080] =	vst v15;
	v9 =	vmul.f32 $5.699879960e-03, v9;
	v10 =	vadd.f32 v10, v3  }
0x8c: {  	v15 =	vld [tilespmem:s20+$0x4020];
	[tilespmem:s18+$0x4090] =	vst v13;
	v8 =	vmul.f32 $5.699879960e-03, v8;
	v11 =	vadd.f32 v11, v2  }
0x8d: {  	v13 =	vld [tilespmem:s20+$0x4030];
	[tilespmem:s18+$0x40A0] =	vst v9;
	v9 =	vmul.f32 $5.699879960e-03, v10;
	v10 =	vadd.f32 v12, v1  }
0x8e: {  	v12 =	vld [tilespmem:s20+$0x4040];
	[tilespmem:s18+$0x40B0] =	vst v8;
	v8 =	vmul.f32 $5.699879960e-03, v11;
	v11 =	vadd.f32 v16, v0  }
0x8f: {  	v16 =	vadd.f32 v17, v5;
	v17 =	vld [tilespmem:s20+$0x4050];
	[tilespmem:s18+$0x40C0] =	vst v9;
	v9 =	vmul.f32 $5.699879960e-03, v10  }
0x90: {  	v10 =	vadd.f32 v14, v7;
	v14 =	vld [tilespmem:s20+$0x4060];
	[tilespmem:s18+$0x40D0] =	vst v8;
	v8 =	vmul.f32 $5.699879960e-03, v11  }
0x91: {  	v11 =	vmul.f32 $5.699879960e-03, v16;
	v15 =	vadd.f32 v15, v6;
	v16 =	vld [tilespmem:s20+$0x4070];
	[tilespmem:s18+$0x40E0] =	vst v9  }
0x92: {  	v9 =	vmul.f32 $5.699879960e-03, v10;
	v10 =	vadd.f32 v13, v4;
	v13 =	vld [tilespmem:s20+$0x4080];
	[tilespmem:s18+$0x40F0] =	vst v8;
	s18 =	smov.u32 s20  }
0x93: {  	[tilespmem:s18+$0x4000] =	vst v11;
	v8 =	vmul.f32 $5.699879960e-03, v15;
	v11 =	vadd.f32 v12, v3;
	v12 =	vld [tilespmem:s18+$0x4090]  }
.Ltmp5:
0x94: {  	[tilespmem:s18+$0x4010] =	vst v9;
	v10 =	vmul.f32 $5.699879960e-03, v10;
	v15 =	vadd.f32 v17, v2;
	v9 =	vld [tilespmem:s18+$0x40A0];
	(pc) =	sbr.rel @p0 .LBB2_12-.Ltmp5, $4  }
0x95: {  	[tilespmem:s18+$0x4020] =	vst v8;
	v11 =	vmul.f32 $5.699879960e-03, v11;
	v14 =	vadd.f32 v14, v1;
	v8 =	vld [tilespmem:s18+$0x40B0]  }
0x96: {  	[tilespmem:s18+$0x4030] =	vst v10;
	v17 =	vmul.f32 $5.699879960e-03, v15;
	v18 =	vadd.f32 v16, v0;
	v10 =	vld [tilespmem:s18+$0x40C0]  }
0x97: {  	[tilespmem:s18+$0x4040] =	vst v11;
	v15 =	vmul.f32 $5.699879960e-03, v14;
	v16 =	vadd.f32 v13, v5;
	v11 =	vld [tilespmem:s18+$0x40D0]  }
0x98: {  	s19 =	sadd.s32 $0x400, s19;
	[tilespmem:s18+$0x4050] =	vst v17;
	v13 =	vmul.f32 $5.699879960e-03, v18;
	v14 =	vadd.f32 v12, v7;
	v12 =	vld [tilespmem:s18+$0x40E0]  }
0x99: {  	[tilespmem:s18+$0x4060] =	vst v15;
	v5 =	vmul.f32 $5.699879960e-03, v16;
	v6 =	vadd.f32 v9, v6;
	v7 =	vld [tilespmem:s18+$0x40F0]  }
0x9a: {  	[tilespmem:s18+$0x4070] =	vst v13;
	v62 =	vmul.f32 $5.699879960e-03, v14;
	v4 =	vadd.f32 v8, v4  }
0x9b: {  	[tilespmem:s18+$0x4080] =	vst v5;
	v63 =	vmul.f32 $5.699879960e-03, v6;
	v3 =	vadd.f32 v10, v3  }
0x9c: {  	[tilespmem:s18+$0x4090] =	vst v62;
	v4 =	vmul.f32 $5.699879960e-03, v4;
	v2 =	vadd.f32 v11, v2  }
0x9d: {  	[tilespmem:s18+$0x40A0] =	vst v63;
	v3 =	vmul.f32 $5.699879960e-03, v3;
	v1 =	vadd.f32 v12, v1  }
0x9e: {  	[tilespmem:s18+$0x40B0] =	vst v4;
	v2 =	vmul.f32 $5.699879960e-03, v2;
	v0 =	vadd.f32 v7, v0  }
0x9f: {  	[tilespmem:s18+$0x40C0] =	vst v3;
	v1 =	vmul.f32 $5.699879960e-03, v1  }
0xa0: {  	[tilespmem:s18+$0x40D0] =	vst v2;
	v0 =	vmul.f32 $5.699879960e-03, v0  }
0xa1: {  	[tilespmem:s18+$0x40E0] =	vst v1  }
0xa2: {  	s17 =	sadd.s32 $0x1, s17;
	[tilespmem:s18+$0x40F0] =	vst v0  }
0xa3: {  	[hbm4b:s7+s4] =	stream.linear.scatter [tilespmem:s13], [sflag:$0x4], $0x2000, $0x38;
	[tilespmem:$0x8000] =	vst v63  }
0xa4: {  	p0 =	sne.s32 s17, s8;
	_ =	swait.ge [sflag:s10], $0x2000  }
.Ltmp6:
0xa5: {  	[sflag:s10] =	ssyncset.done $0x0;
	(pc) =	sbr.rel @p0 .LBB2_1-.Ltmp6, $4  }
0xa6: {  	[sflag:s10] =	ssyncadd.s32 $0xFFFFE000  }
0xa7: {  	_ =	swait.ge [sflag:s14], $0x2000  }
0xa8: {  	[sflag:s14] =	ssyncset.done $0x0  }
0xa9: {  	[sflag:s14] =	ssyncadd.s32 $0xFFFFE000  }
0xaa: {  	_ =	sfence.sel $0x180000  }
0xab: {  	[bflag:$0x0] =	sbarrier.arrive $0xFFFF  }
0xac: {  	p0 =	sne.s32 s3, $0x0;
	_ =	strace $0x90000047  }
0xad: {  	s0 =	sadd.s32 @!p0 $0x100000, s0;
	[bflag:$0x2] =	sbarrier.arrive $0xFFFF  }
0xae: {  	[sflag:s0] =	ssyncadd.tile.s32 @!p0 $0x1;
	_ =	shalt  }
.Lfunc_end2:
_tile_overlayer_lowered:
.L_overlay_start_2:
0xaf: {  	(tag) =	ssettag $0x2  }
0xb0: {  	s0 =	rddreg [dreg:$0x0];
	s2 =	stileid.u32  }
0xb1: {  	s1 =	rddreg [dreg:$0x1];
	p0 =	sne.s32 s2, $0x0  }
0xb2: {  	s3 =	rddreg [dreg:$0x2];
	[bflag:$0x3] =	sbarrier.arrive $0xFFFF;
	s2 =	simm.s32 @!p0 $0x1C04  }
0xb3: {  	[timem:s3], [sflag:s2] =	dma.local @!p0 [hbm:s0], s1  }
0xb4: {  	s0 =	simm.s32 @!p0 $0x4  }
0xb5: {  	_ =	swait.ge @!p0 [sflag:s0], s1  }
0xb6: {  	s1 =	ssub.s32 @!p0 $0x0, s1;
	[sflag:s0] =	ssyncset.done @!p0 $0x0  }
0xb7: {  	[sflag:s0] =	ssyncadd.s32 @!p0 s1  }
0xb8: {  	[bflag:$0x3] =	sbarrier.arrive $0xFFFF  }
0xb9: {  	_ =	shalt  }

</sc_bundles>
